<compile_context>
chip_gen: v7x
topology: tpu7x:2x2x1
jax: 0.10.2.dev20260603
libtpu: 0.0.44.dev20260713+nightly
codegen_flags: <defaults>
</compile_context>

<pallas_src>
import functools

import jax
import jax.numpy as jnp
from jax import lax
from jax.experimental import pallas as pl
from jax.experimental.pallas import tpu as pltpu
from jax.experimental.pallas import tpu_sc as plsc

N_NODES = 10000
D = 128
DH = D // 2
N_SC = 2
N_TILES = 16
W = 128
K = 8
SUP = K * W
N_PAD = 10240
ROWS_PER_TILE = N_PAD // N_TILES


def _sc_body(x_hbm, src_hbm, dst_hbm, deg_hbm, out_hbm,
             src_v, dst_v, deg_v, rows_v, acc, sem, *, n_sup):
    c = lax.axis_index("c")
    s = lax.axis_index("s")

    zeros16 = jnp.zeros((16,), jnp.float32)

    def zrow(r, _):
        for f in range(DH // 16):
            rows_v[r, pl.ds(f * 16, 16)] = zeros16
        return 0

    lax.fori_loop(0, ROWS_PER_TILE, zrow, 0)
    row0 = s * ROWS_PER_TILE
    pltpu.sync_copy(rows_v.at[pl.ds(0, ROWS_PER_TILE)],
                    acc.at[pl.ds(row0, ROWS_PER_TILE)])
    plsc.subcore_barrier()

    n_sup_total = n_sup * N_TILES

    def superchunk(g, _):
        base = s * n_sup * K + g * K
        pltpu.sync_copy(src_hbm.at[pl.ds(base, K)], src_v)
        pltpu.sync_copy(dst_hbm.at[pl.ds(c * n_sup_total * K + base, K)], dst_v)
        pltpu.sync_copy(deg_hbm.at[pl.ds(base * W, SUP)], deg_v)
        cps = [
            pltpu.async_copy(x_hbm.at[dst_v.at[j]],
                             rows_v.at[pl.ds(j * W, W)], sem)
            for j in range(K)
        ]
        for cp in cps:
            cp.wait()

        def scale(q, _):
            dchunk = deg_v[pl.ds(q * 16, 16)]
            for i in range(16):
                e = q * 16 + i
                dv = jnp.full((16,), dchunk[i], jnp.float32)
                for f in range(DH // 16):
                    sl = pl.ds(f * 16, 16)
                    rows_v[e, sl] = rows_v[e, sl] * dv
            return 0

        lax.fori_loop(0, SUP // 16, scale, 0)

        for j in range(K):
            pltpu.sync_copy(rows_v.at[pl.ds(j * W, W)],
                            acc.at[src_v.at[j]], add=True)
        return 0

    lax.fori_loop(0, n_sup, superchunk, 0)
    plsc.subcore_barrier()
    pltpu.sync_copy(acc.at[pl.ds(row0, ROWS_PER_TILE)],
                    out_hbm.at[pl.ds(c * N_PAD + row0, ROWS_PER_TILE)])


def kernel(x, edge_index, degrees):
    n_edges = edge_index.shape[1]
    per_tile = -(-n_edges // (N_TILES * SUP)) * SUP
    e_pad = per_tile * N_TILES
    n_sup = per_tile // SUP
    pad = e_pad - n_edges

    src = edge_index[0]
    dst = edge_index[1]
    deg = degrees
    if pad:
        fill = (jnp.arange(pad, dtype=jnp.int32) * 16) % N_NODES
        src = jnp.concatenate([src, fill])
        dst = jnp.concatenate([dst, fill])
        deg = jnp.concatenate([deg, jnp.zeros((pad,), jnp.float32)])

    src2 = src.reshape(e_pad // W, W)
    dst2 = jnp.concatenate([dst, dst + N_PAD]).reshape(2 * e_pad // W, W)
    zrows = jnp.zeros((N_PAD - N_NODES, DH), jnp.float32)
    x_cat = jnp.concatenate([x[:, :DH], zrows, x[:, DH:], zrows], axis=0)

    body = functools.partial(_sc_body, n_sup=n_sup)
    out_cat = pl.kernel(
        body,
        out_type=jax.ShapeDtypeStruct((2 * N_PAD, DH), jnp.float32),
        mesh=plsc.VectorSubcoreMesh(core_axis_name="c", subcore_axis_name="s",
                                    num_cores=N_SC, num_subcores=N_TILES),
        scratch_types=[
            pltpu.VMEM((K, W), jnp.int32),
            pltpu.VMEM((K, W), jnp.int32),
            pltpu.VMEM((SUP,), jnp.float32),
            pltpu.VMEM((SUP, DH), jnp.float32),
            pltpu.VMEM_SHARED((N_PAD, DH), jnp.float32),
            pltpu.SemaphoreType.DMA,
        ],
        compiler_params=pltpu.CompilerParams(use_tc_tiling_on_sc=False),
    )(x_cat, src2, dst2, deg)

    return jnp.concatenate(
        [out_cat[:N_NODES], out_cat[N_PAD:N_PAD + N_NODES]], axis=1)

# --- scband reference (transcript-rebuilt; emitter-appended) ---
"""Pipeline reference for scband-gcn-dataset-tcu-cuda-53480932770118 (READ-ONLY COPY).

The authoritative reference and input builder live on the scoring server;
editing this copy changes nothing except your own understanding.
"""

import jax, jax.numpy as jnp
import numpy as np

N_NODES = 10000
N_EDGES = 320000
D_FEAT = 128

def setup_inputs(seed: int = 0) -> dict:
    key = jax.random.key(seed)
    k1, k2, k3 = jax.random.split(key, 3)
    x = jax.random.normal(k1, (N_NODES, D_FEAT), dtype=jnp.float32)
    edge_index = jax.random.randint(k2, (2, N_EDGES), 0, N_NODES, dtype=jnp.int32)
    # 'degrees' in the original module is a randn tensor over edges, used as edge values
    degrees = jax.random.normal(k3, (N_EDGES,), dtype=jnp.float32)
    return {"x": x, "edge_index": edge_index, "degrees": degrees}

def reference(x, edge_index, degrees):
    # Faithful dense-math equivalent of the CSR/TCU-partitioned SpMM the module
    # prepares: adjacency built as coo_matrix((val, [src, dst])) with rows=src,
    # cols=dst, so out = A @ x  ==  scatter-add over src of (x[dst] * edge_val).
    src = edge_index[0]
    dst = edge_index[1]
    gathered = jnp.take(x, dst, axis=0) * degrees[:, None]
    out = jax.ops.segment_sum(gathered, src, num_segments=x.shape[0])
    return out

if __name__ == "__main__":
    import jax
    _d = setup_inputs()
    print(jax.jit(kernel)(*tuple(_d.values())))

</pallas_src>

<mosaic_0001>
#map = affine_map<(d0, d1) -> (0, 0)>
#map1 = affine_map<(d0, d1) -> (0)>
module attributes {stable_mosaic.version = 14 : i64} {
  func.func @_sc_body(%arg0: i32, %arg1: i32, %arg2: memref<20480x64xf32, #tpu.memory_space<hbm>>, %arg3: memref<2560x128xi32, #tpu.memory_space<hbm>>, %arg4: memref<5120x128xi32, #tpu.memory_space<hbm>>, %arg5: memref<327680xf32, #tpu.memory_space<hbm>>, %arg6: memref<20480x64xf32, #tpu.memory_space<hbm>>, %arg7: memref<8x128xi32, #tpu.memory_space<vmem>>, %arg8: memref<8x128xi32, #tpu.memory_space<vmem>>, %arg9: memref<1024xf32, #tpu.memory_space<vmem>>, %arg10: memref<1024x64xf32, #tpu.memory_space<vmem>>, %arg11: memref<10240x64xf32, #tpu.memory_space<vmem_shared>>, %arg12: memref<!tpu.dma_semaphore, #tpu.memory_space<semaphore_mem>>) attributes {dimension_semantics = [#tpu.dimension_semantics<core_parallel>, #tpu.dimension_semantics<subcore_parallel>], iteration_bounds = array<i64: 2, 16>, scalar_prefetch = 0 : i64, scratch_operands = 6 : i64, tpu.core_type = #tpu.core_type<sc_vector_subcore>, window_params = [{transform_indices = #map}, {transform_indices = #map}, {transform_indices = #map}, {transform_indices = #map1}, {transform_indices = #map}]} {
    %broadcast_in_dim3A = arith.constant 0.000000e+00 : f32
    %broadcast_in_dim3A_0 = vector.broadcast %broadcast_in_dim3A : f32 to vector<16xf32>
    %scan3A = arith.constant 0 : i32
    %scan3A_1 = arith.constant 0 : i32
    %scan3A_2 = arith.constant 640 : i32
    %scan3A_3 = arith.addi %scan3A_1, %scan3A_2 : i32
    %scan3A_4 = arith.constant 1 : i32
    %scan3A_5 = scf.for %scan3A_18 = %scan3A_1 to %scan3A_3 step %scan3A_4 iter_args(%scan3A_19 = %scan3A) -> (i32)  : i32 {
      %swap3A = arith.index_cast %scan3A_18 : i32 to index
      %swap3A_20 = arith.constant 0 : index
      %swap3A_21 = tpu.vector_load %arg10[%swap3A, %swap3A_20] {strides = array<i32>} : memref<1024x64xf32, #tpu.memory_space<vmem>>, vector<1x16xf32>,
      %swap3A_22 = vector.shape_cast %swap3A_21 : vector<1x16xf32> to vector<16xf32>
      %swap3A_23 = vector.shape_cast %broadcast_in_dim3A_0 : vector<16xf32> to vector<1x16xf32>
      tpu.vector_store %arg10[%swap3A, %swap3A_20], %swap3A_23 {strides = array<i32>} : memref<1024x64xf32, #tpu.memory_space<vmem>>, vector<1x16xf32>,
      %swap3A_24 = arith.index_cast %scan3A_18 : i32 to index
      %swap3A_25 = arith.constant 16 : index
      %swap3A_26 = tpu.vector_load %arg10[%swap3A_24, %swap3A_25] {strides = array<i32>} : memref<1024x64xf32, #tpu.memory_space<vmem>>, vector<1x16xf32>,
      %swap3A_27 = vector.shape_cast %swap3A_26 : vector<1x16xf32> to vector<16xf32>
      %swap3A_28 = vector.shape_cast %broadcast_in_dim3A_0 : vector<16xf32> to vector<1x16xf32>
      tpu.vector_store %arg10[%swap3A_24, %swap3A_25], %swap3A_28 {strides = array<i32>} : memref<1024x64xf32, #tpu.memory_space<vmem>>, vector<1x16xf32>,
      %swap3A_29 = arith.index_cast %scan3A_18 : i32 to index
      %swap3A_30 = arith.constant 32 : index
      %swap3A_31 = tpu.vector_load %arg10[%swap3A_29, %swap3A_30] {strides = array<i32>} : memref<1024x64xf32, #tpu.memory_space<vmem>>, vector<1x16xf32>,
      %swap3A_32 = vector.shape_cast %swap3A_31 : vector<1x16xf32> to vector<16xf32>
      %swap3A_33 = vector.shape_cast %broadcast_in_dim3A_0 : vector<16xf32> to vector<1x16xf32>
      tpu.vector_store %arg10[%swap3A_29, %swap3A_30], %swap3A_33 {strides = array<i32>} : memref<1024x64xf32, #tpu.memory_space<vmem>>, vector<1x16xf32>,
      %swap3A_34 = arith.index_cast %scan3A_18 : i32 to index
      %swap3A_35 = arith.constant 48 : index
      %swap3A_36 = tpu.vector_load %arg10[%swap3A_34, %swap3A_35] {strides = array<i32>} : memref<1024x64xf32, #tpu.memory_space<vmem>>, vector<1x16xf32>,
      %swap3A_37 = vector.shape_cast %swap3A_36 : vector<1x16xf32> to vector<16xf32>
      %swap3A_38 = vector.shape_cast %broadcast_in_dim3A_0 : vector<16xf32> to vector<1x16xf32>
      tpu.vector_store %arg10[%swap3A_34, %swap3A_35], %swap3A_38 {strides = array<i32>} : memref<1024x64xf32, #tpu.memory_space<vmem>>, vector<1x16xf32>,
      %scan3A_39 = arith.constant 0 : i32
      scf.yield %scan3A_39 : i32
    }
    %scan3A_6 = arith.constant 640 : i32
    %mul3A = arith.constant 640 : i32
    %mul3A_7 = arith.muli %arg1, %mul3A : i32
    "tpu.region"() ({
      %run_scoped3A = tpu.sem_alloc : memref<!tpu.dma_semaphore, #tpu.memory_space<semaphore_mem>>
      %dma_start3A = arith.constant 0 : i32
      %dma_start3A_18 = arith.constant 0 : i32
      %dma_start3A_19 = tpu.memref_slice %arg10[%dma_start3A, %dma_start3A_18] : memref<1024x64xf32, #tpu.memory_space<vmem>> -> memref<640x64xf32, #tpu.memory_space<vmem>>
      %dma_start3A_20 = arith.constant 0 : i32
      %dma_start3A_21 = tpu.memref_slice %arg11[%mul3A_7, %dma_start3A_20] : memref<10240x64xf32, #tpu.memory_space<vmem_shared>> -> memref<640x64xf32, #tpu.memory_space<vmem_shared>>
      %dma_start3A_22 = arith.constant 0 : i32
      %dma_start3A_23 = tpu.memref_slice %arg11[%mul3A_7, %dma_start3A_22] : memref<10240x64xf32, #tpu.memory_space<vmem_shared>> -> memref<640x64xf32, #tpu.memory_space<vmem_shared>>
      %dma_start3A_24 = arith.constant 0 : i32
      %dma_start3A_25 = arith.constant 0 : i32
      %dma_start3A_26 = tpu.memref_slice %arg10[%dma_start3A_24, %dma_start3A_25] : memref<1024x64xf32, #tpu.memory_space<vmem>> -> memref<640x64xf32, #tpu.memory_space<vmem>>
      tpu.enqueue_dma source(%dma_start3A_26 : memref<640x64xf32, #tpu.memory_space<vmem>>) target(%dma_start3A_23 : memref<640x64xf32, #tpu.memory_space<vmem_shared>>) target_semaphore(%run_scoped3A : memref<!tpu.dma_semaphore, #tpu.memory_space<semaphore_mem>>)
      %dma_wait3A = arith.constant 0 : i32
      %dma_wait3A_27 = arith.constant 0 : i32
      %dma_wait3A_28 = tpu.memref_slice %arg10[%dma_wait3A, %dma_wait3A_27] : memref<1024x64xf32, #tpu.memory_space<vmem>> -> memref<640x64xf32, #tpu.memory_space<vmem>>
      %dma_wait3A_29 = arith.constant 0 : i32
      %dma_wait3A_30 = tpu.memref_slice %arg11[%mul3A_7, %dma_wait3A_29] : memref<10240x64xf32, #tpu.memory_space<vmem_shared>> -> memref<640x64xf32, #tpu.memory_space<vmem_shared>>
      %dma_wait3A_31 = arith.constant 0 : i32
      %dma_wait3A_32 = tpu.memref_slice %arg11[%mul3A_7, %dma_wait3A_31] : memref<10240x64xf32, #tpu.memory_space<vmem_shared>> -> memref<640x64xf32, #tpu.memory_space<vmem_shared>>
      %dma_wait3A_33 = arith.constant 0 : i32
      %dma_wait3A_34 = arith.constant 0 : i32
      %dma_wait3A_35 = tpu.memref_slice %arg10[%dma_wait3A_33, %dma_wait3A_34] : memref<1024x64xf32, #tpu.memory_space<vmem>> -> memref<640x64xf32, #tpu.memory_space<vmem>>
      tpu.wait_dma2 semaphore(%run_scoped3A : memref<!tpu.dma_semaphore, #tpu.memory_space<semaphore_mem>>) src(%dma_wait3A_35 : memref<640x64xf32, #tpu.memory_space<vmem>>) dst(%dma_wait3A_32 : memref<640x64xf32, #tpu.memory_space<vmem_shared>>)
      tpu.yield
    }) : () -> ()
    %barrier3A = arith.constant 0 : index
    tpu.barrier barrier_id(%barrier3A)
    %scan3A_8 = arith.constant 0 : i32
    %scan3A_9 = arith.constant 0 : i32
    %scan3A_10 = arith.constant 20 : i32
    %scan3A_11 = arith.addi %scan3A_9, %scan3A_10 : i32
    %scan3A_12 = arith.constant 1 : i32
    %scan3A_13 = scf.for %scan3A_18 = %scan3A_9 to %scan3A_11 step %scan3A_12 iter_args(%scan3A_19 = %scan3A_8) -> (i32)  : i32 {
      %mul3A_20 = arith.constant 20 : i32
      %mul3A_21 = arith.muli %arg1, %mul3A_20 : i32
      %mul3A_22 = arith.constant 8 : i32
      %mul3A_23 = arith.muli %mul3A_21, %mul3A_22 : i32
      %mul3A_24 = arith.constant 8 : i32
      %mul3A_25 = arith.muli %scan3A_18, %mul3A_24 : i32
      %add3A_26 = arith.addi %mul3A_23, %mul3A_25 : i32
      "tpu.region"() ({
        %run_scoped3A_207 = tpu.sem_alloc : memref<!tpu.dma_semaphore, #tpu.memory_space<semaphore_mem>>
        %dma_start3A_208 = arith.constant 0 : i32
        %dma_start3A_209 = tpu.memref_slice %arg3[%add3A_26, %dma_start3A_208] : memref<2560x128xi32, #tpu.memory_space<hbm>> -> memref<8x128xi32, #tpu.memory_space<hbm>>
        %dma_start3A_210 = arith.constant 0 : i32
        %dma_start3A_211 = tpu.memref_slice %arg3[%add3A_26, %dma_start3A_210] : memref<2560x128xi32, #tpu.memory_space<hbm>> -> memref<8x128xi32, #tpu.memory_space<hbm>>
        tpu.enqueue_dma source(%dma_start3A_211 : memref<8x128xi32, #tpu.memory_space<hbm>>) target(%arg7 : memref<8x128xi32, #tpu.memory_space<vmem>>) target_semaphore(%run_scoped3A_207 : memref<!tpu.dma_semaphore, #tpu.memory_space<semaphore_mem>>)
        %dma_wait3A_212 = arith.constant 0 : i32
        %dma_wait3A_213 = tpu.memref_slice %arg3[%add3A_26, %dma_wait3A_212] : memref<2560x128xi32, #tpu.memory_space<hbm>> -> memref<8x128xi32, #tpu.memory_space<hbm>>
        %dma_wait3A_214 = arith.constant 0 : i32
        %dma_wait3A_215 = tpu.memref_slice %arg3[%add3A_26, %dma_wait3A_214] : memref<2560x128xi32, #tpu.memory_space<hbm>> -> memref<8x128xi32, #tpu.memory_space<hbm>>
        tpu.wait_dma2 semaphore(%run_scoped3A_207 : memref<!tpu.dma_semaphore, #tpu.memory_space<semaphore_mem>>) src(%dma_wait3A_215 : memref<8x128xi32, #tpu.memory_space<hbm>>) dst(%arg7 : memref<8x128xi32, #tpu.memory_space<vmem>>)
        tpu.yield
      }) : () -> ()
      %mul3A_27 = arith.constant 320 : i32
      %mul3A_28 = arith.muli %arg0, %mul3A_27 : i32
      %mul3A_29 = arith.constant 8 : i32
      %mul3A_30 = arith.muli %mul3A_28, %mul3A_29 : i32
      %add3A_31 = arith.addi %mul3A_30, %add3A_26 : i32
      "tpu.region"() ({
        %run_scoped3A_207 = tpu.sem_alloc : memref<!tpu.dma_semaphore, #tpu.memory_space<semaphore_mem>>
        %dma_start3A_208 = arith.constant 0 : i32
        %dma_start3A_209 = tpu.memref_slice %arg4[%add3A_31, %dma_start3A_208] : memref<5120x128xi32, #tpu.memory_space<hbm>> -> memref<8x128xi32, #tpu.memory_space<hbm>>
        %dma_start3A_210 = arith.constant 0 : i32
        %dma_start3A_211 = tpu.memref_slice %arg4[%add3A_31, %dma_start3A_210] : memref<5120x128xi32, #tpu.memory_space<hbm>> -> memref<8x128xi32, #tpu.memory_space<hbm>>
        tpu.enqueue_dma source(%dma_start3A_211 : memref<8x128xi32, #tpu.memory_space<hbm>>) target(%arg8 : memref<8x128xi32, #tpu.memory_space<vmem>>) target_semaphore(%run_scoped3A_207 : memref<!tpu.dma_semaphore, #tpu.memory_space<semaphore_mem>>)
        %dma_wait3A_212 = arith.constant 0 : i32
        %dma_wait3A_213 = tpu.memref_slice %arg4[%add3A_31, %dma_wait3A_212] : memref<5120x128xi32, #tpu.memory_space<hbm>> -> memref<8x128xi32, #tpu.memory_space<hbm>>
        %dma_wait3A_214 = arith.constant 0 : i32
        %dma_wait3A_215 = tpu.memref_slice %arg4[%add3A_31, %dma_wait3A_214] : memref<5120x128xi32, #tpu.memory_space<hbm>> -> memref<8x128xi32, #tpu.memory_space<hbm>>
        tpu.wait_dma2 semaphore(%run_scoped3A_207 : memref<!tpu.dma_semaphore, #tpu.memory_space<semaphore_mem>>) src(%dma_wait3A_215 : memref<8x128xi32, #tpu.memory_space<hbm>>) dst(%arg8 : memref<8x128xi32, #tpu.memory_space<vmem>>)
        tpu.yield
      }) : () -> ()
      %mul3A_32 = arith.constant 128 : i32
      %mul3A_33 = arith.muli %add3A_26, %mul3A_32 : i32
      "tpu.region"() ({
        %run_scoped3A_207 = tpu.sem_alloc : memref<!tpu.dma_semaphore, #tpu.memory_space<semaphore_mem>>
        %dma_start3A_208 = tpu.memref_slice %arg5[%mul3A_33] : memref<327680xf32, #tpu.memory_space<hbm>> -> memref<1024xf32, #tpu.memory_space<hbm>>
        %dma_start3A_209 = tpu.memref_slice %arg5[%mul3A_33] : memref<327680xf32, #tpu.memory_space<hbm>> -> memref<1024xf32, #tpu.memory_space<hbm>>
        tpu.enqueue_dma source(%dma_start3A_209 : memref<1024xf32, #tpu.memory_space<hbm>>) target(%arg9 : memref<1024xf32, #tpu.memory_space<vmem>>) target_semaphore(%run_scoped3A_207 : memref<!tpu.dma_semaphore, #tpu.memory_space<semaphore_mem>>)
        %dma_wait3A_210 = tpu.memref_slice %arg5[%mul3A_33] : memref<327680xf32, #tpu.memory_space<hbm>> -> memref<1024xf32, #tpu.memory_space<hbm>>
        %dma_wait3A_211 = tpu.memref_slice %arg5[%mul3A_33] : memref<327680xf32, #tpu.memory_space<hbm>> -> memref<1024xf32, #tpu.memory_space<hbm>>
        tpu.wait_dma2 semaphore(%run_scoped3A_207 : memref<!tpu.dma_semaphore, #tpu.memory_space<semaphore_mem>>) src(%dma_wait3A_211 : memref<1024xf32, #tpu.memory_space<hbm>>) dst(%arg9 : memref<1024xf32, #tpu.memory_space<vmem>>)
        tpu.yield
      }) : () -> ()
      %dma_start3A = arith.constant 0 : i32
      %dma_start3A_34 = arith.constant 0 : i32
      %dma_start3A_35 = arith.constant 0 : i32
      %dma_start3A_36 = tpu.memref_slice %arg10[%dma_start3A_34, %dma_start3A_35] : memref<1024x64xf32, #tpu.memory_space<vmem>> -> memref<128x64xf32, #tpu.memory_space<vmem>>
      %dma_start3A_37 = arith.constant 0 : i32
      %dma_start3A_38 = tpu.memref_slice %arg8[%dma_start3A, %dma_start3A_37] : memref<8x128xi32, #tpu.memory_space<vmem>> -> memref<1x128xi32, #tpu.memory_space<vmem>>
      %dma_start3A_39 = tpu.memref_squeeze %dma_start3A_38 : memref<1x128xi32, #tpu.memory_space<vmem>> -> memref<128xi32, #tpu.memory_space<vmem>>
      %dma_start3A_40 = arith.constant 0 : i32
      %dma_start3A_41 = arith.constant 0 : i32
      %dma_start3A_42 = tpu.memref_slice %arg2[%dma_start3A_40, %dma_start3A_41] : memref<20480x64xf32, #tpu.memory_space<hbm>> -> memref<20480x64xf32, #tpu.memory_space<hbm>>
      tpu.enqueue_indirect_dma source(%dma_start3A_42 : memref<20480x64xf32, #tpu.memory_space<hbm>>) target(%dma_start3A_36 : memref<128x64xf32, #tpu.memory_space<vmem>>) offsets(%dma_start3A_39 : memref<128xi32, #tpu.memory_space<vmem>>) semaphore(%arg12 : memref<!tpu.dma_semaphore, #tpu.memory_space<semaphore_mem>>)
      %dma_start3A_43 = arith.constant 1 : i32
      %dma_start3A_44 = arith.constant 128 : i32
      %dma_start3A_45 = arith.constant 0 : i32
      %dma_start3A_46 = tpu.memref_slice %arg10[%dma_start3A_44, %dma_start3A_45] : memref<1024x64xf32, #tpu.memory_space<vmem>> -> memref<128x64xf32, #tpu.memory_space<vmem>>
      %dma_start3A_47 = arith.constant 0 : i32
      %dma_start3A_48 = tpu.memref_slice %arg8[%dma_start3A_43, %dma_start3A_47] : memref<8x128xi32, #tpu.memory_space<vmem>> -> memref<1x128xi32, #tpu.memory_space<vmem>>
      %dma_start3A_49 = tpu.memref_squeeze %dma_start3A_48 : memref<1x128xi32, #tpu.memory_space<vmem>> -> memref<128xi32, #tpu.memory_space<vmem>>
      %dma_start3A_50 = arith.constant 0 : i32
      %dma_start3A_51 = arith.constant 0 : i32
      %dma_start3A_52 = tpu.memref_slice %arg2[%dma_start3A_50, %dma_start3A_51] : memref<20480x64xf32, #tpu.memory_space<hbm>> -> memref<20480x64xf32, #tpu.memory_space<hbm>>
      tpu.enqueue_indirect_dma source(%dma_start3A_52 : memref<20480x64xf32, #tpu.memory_space<hbm>>) target(%dma_start3A_46 : memref<128x64xf32, #tpu.memory_space<vmem>>) offsets(%dma_start3A_49 : memref<128xi32, #tpu.memory_space<vmem>>) semaphore(%arg12 : memref<!tpu.dma_semaphore, #tpu.memory_space<semaphore_mem>>)
      %dma_start3A_53 = arith.constant 2 : i32
      %dma_start3A_54 = arith.constant 256 : i32
      %dma_start3A_55 = arith.constant 0 : i32
      %dma_start3A_56 = tpu.memref_slice %arg10[%dma_start3A_54, %dma_start3A_55] : memref<1024x64xf32, #tpu.memory_space<vmem>> -> memref<128x64xf32, #tpu.memory_space<vmem>>
      %dma_start3A_57 = arith.constant 0 : i32
      %dma_start3A_58 = tpu.memref_slice %arg8[%dma_start3A_53, %dma_start3A_57] : memref<8x128xi32, #tpu.memory_space<vmem>> -> memref<1x128xi32, #tpu.memory_space<vmem>>
      %dma_start3A_59 = tpu.memref_squeeze %dma_start3A_58 : memref<1x128xi32, #tpu.memory_space<vmem>> -> memref<128xi32, #tpu.memory_space<vmem>>
      %dma_start3A_60 = arith.constant 0 : i32
      %dma_start3A_61 = arith.constant 0 : i32
      %dma_start3A_62 = tpu.memref_slice %arg2[%dma_start3A_60, %dma_start3A_61] : memref<20480x64xf32, #tpu.memory_space<hbm>> -> memref<20480x64xf32, #tpu.memory_space<hbm>>
      tpu.enqueue_indirect_dma source(%dma_start3A_62 : memref<20480x64xf32, #tpu.memory_space<hbm>>) target(%dma_start3A_56 : memref<128x64xf32, #tpu.memory_space<vmem>>) offsets(%dma_start3A_59 : memref<128xi32, #tpu.memory_space<vmem>>) semaphore(%arg12 : memref<!tpu.dma_semaphore, #tpu.memory_space<semaphore_mem>>)
      %dma_start3A_63 = arith.constant 3 : i32
      %dma_start3A_64 = arith.constant 384 : i32
      %dma_start3A_65 = arith.constant 0 : i32
      %dma_start3A_66 = tpu.memref_slice %arg10[%dma_start3A_64, %dma_start3A_65] : memref<1024x64xf32, #tpu.memory_space<vmem>> -> memref<128x64xf32, #tpu.memory_space<vmem>>
      %dma_start3A_67 = arith.constant 0 : i32
      %dma_start3A_68 = tpu.memref_slice %arg8[%dma_start3A_63, %dma_start3A_67] : memref<8x128xi32, #tpu.memory_space<vmem>> -> memref<1x128xi32, #tpu.memory_space<vmem>>
      %dma_start3A_69 = tpu.memref_squeeze %dma_start3A_68 : memref<1x128xi32, #tpu.memory_space<vmem>> -> memref<128xi32, #tpu.memory_space<vmem>>
      %dma_start3A_70 = arith.constant 0 : i32
      %dma_start3A_71 = arith.constant 0 : i32
      %dma_start3A_72 = tpu.memref_slice %arg2[%dma_start3A_70, %dma_start3A_71] : memref<20480x64xf32, #tpu.memory_space<hbm>> -> memref<20480x64xf32, #tpu.memory_space<hbm>>
      tpu.enqueue_indirect_dma source(%dma_start3A_72 : memref<20480x64xf32, #tpu.memory_space<hbm>>) target(%dma_start3A_66 : memref<128x64xf32, #tpu.memory_space<vmem>>) offsets(%dma_start3A_69 : memref<128xi32, #tpu.memory_space<vmem>>) semaphore(%arg12 : memref<!tpu.dma_semaphore, #tpu.memory_space<semaphore_mem>>)
      %dma_start3A_73 = arith.constant 4 : i32
      %dma_start3A_74 = arith.constant 512 : i32
      %dma_start3A_75 = arith.constant 0 : i32
      %dma_start3A_76 = tpu.memref_slice %arg10[%dma_start3A_74, %dma_start3A_75] : memref<1024x64xf32, #tpu.memory_space<vmem>> -> memref<128x64xf32, #tpu.memory_space<vmem>>
      %dma_start3A_77 = arith.constant 0 : i32
      %dma_start3A_78 = tpu.memref_slice %arg8[%dma_start3A_73, %dma_start3A_77] : memref<8x128xi32, #tpu.memory_space<vmem>> -> memref<1x128xi32, #tpu.memory_space<vmem>>
      %dma_start3A_79 = tpu.memref_squeeze %dma_start3A_78 : memref<1x128xi32, #tpu.memory_space<vmem>> -> memref<128xi32, #tpu.memory_space<vmem>>
      %dma_start3A_80 = arith.constant 0 : i32
      %dma_start3A_81 = arith.constant 0 : i32
      %dma_start3A_82 = tpu.memref_slice %arg2[%dma_start3A_80, %dma_start3A_81] : memref<20480x64xf32, #tpu.memory_space<hbm>> -> memref<20480x64xf32, #tpu.memory_space<hbm>>
      tpu.enqueue_indirect_dma source(%dma_start3A_82 : memref<20480x64xf32, #tpu.memory_space<hbm>>) target(%dma_start3A_76 : memref<128x64xf32, #tpu.memory_space<vmem>>) offsets(%dma_start3A_79 : memref<128xi32, #tpu.memory_space<vmem>>) semaphore(%arg12 : memref<!tpu.dma_semaphore, #tpu.memory_space<semaphore_mem>>)
      %dma_start3A_83 = arith.constant 5 : i32
      %dma_start3A_84 = arith.constant 640 : i32
      %dma_start3A_85 = arith.constant 0 : i32
      %dma_start3A_86 = tpu.memref_slice %arg10[%dma_start3A_84, %dma_start3A_85] : memref<1024x64xf32, #tpu.memory_space<vmem>> -> memref<128x64xf32, #tpu.memory_space<vmem>>
      %dma_start3A_87 = arith.constant 0 : i32
      %dma_start3A_88 = tpu.memref_slice %arg8[%dma_start3A_83, %dma_start3A_87] : memref<8x128xi32, #tpu.memory_space<vmem>> -> memref<1x128xi32, #tpu.memory_space<vmem>>
      %dma_start3A_89 = tpu.memref_squeeze %dma_start3A_88 : memref<1x128xi32, #tpu.memory_space<vmem>> -> memref<128xi32, #tpu.memory_space<vmem>>
      %dma_start3A_90 = arith.constant 0 : i32
      %dma_start3A_91 = arith.constant 0 : i32
      %dma_start3A_92 = tpu.memref_slice %arg2[%dma_start3A_90, %dma_start3A_91] : memref<20480x64xf32, #tpu.memory_space<hbm>> -> memref<20480x64xf32, #tpu.memory_space<hbm>>
      tpu.enqueue_indirect_dma source(%dma_start3A_92 : memref<20480x64xf32, #tpu.memory_space<hbm>>) target(%dma_start3A_86 : memref<128x64xf32, #tpu.memory_space<vmem>>) offsets(%dma_start3A_89 : memref<128xi32, #tpu.memory_space<vmem>>) semaphore(%arg12 : memref<!tpu.dma_semaphore, #tpu.memory_space<semaphore_mem>>)
      %dma_start3A_93 = arith.constant 6 : i32
      %dma_start3A_94 = arith.constant 768 : i32
      %dma_start3A_95 = arith.constant 0 : i32
      %dma_start3A_96 = tpu.memref_slice %arg10[%dma_start3A_94, %dma_start3A_95] : memref<1024x64xf32, #tpu.memory_space<vmem>> -> memref<128x64xf32, #tpu.memory_space<vmem>>
      %dma_start3A_97 = arith.constant 0 : i32
      %dma_start3A_98 = tpu.memref_slice %arg8[%dma_start3A_93, %dma_start3A_97] : memref<8x128xi32, #tpu.memory_space<vmem>> -> memref<1x128xi32, #tpu.memory_space<vmem>>
      %dma_start3A_99 = tpu.memref_squeeze %dma_start3A_98 : memref<1x128xi32, #tpu.memory_space<vmem>> -> memref<128xi32, #tpu.memory_space<vmem>>
      %dma_start3A_100 = arith.constant 0 : i32
      %dma_start3A_101 = arith.constant 0 : i32
      %dma_start3A_102 = tpu.memref_slice %arg2[%dma_start3A_100, %dma_start3A_101] : memref<20480x64xf32, #tpu.memory_space<hbm>> -> memref<20480x64xf32, #tpu.memory_space<hbm>>
      tpu.enqueue_indirect_dma source(%dma_start3A_102 : memref<20480x64xf32, #tpu.memory_space<hbm>>) target(%dma_start3A_96 : memref<128x64xf32, #tpu.memory_space<vmem>>) offsets(%dma_start3A_99 : memref<128xi32, #tpu.memory_space<vmem>>) semaphore(%arg12 : memref<!tpu.dma_semaphore, #tpu.memory_space<semaphore_mem>>)
      %dma_start3A_103 = arith.constant 7 : i32
      %dma_start3A_104 = arith.constant 896 : i32
      %dma_start3A_105 = arith.constant 0 : i32
      %dma_start3A_106 = tpu.memref_slice %arg10[%dma_start3A_104, %dma_start3A_105] : memref<1024x64xf32, #tpu.memory_space<vmem>> -> memref<128x64xf32, #tpu.memory_space<vmem>>
      %dma_start3A_107 = arith.constant 0 : i32
      %dma_start3A_108 = tpu.memref_slice %arg8[%dma_start3A_103, %dma_start3A_107] : memref<8x128xi32, #tpu.memory_space<vmem>> -> memref<1x128xi32, #tpu.memory_space<vmem>>
      %dma_start3A_109 = tpu.memref_squeeze %dma_start3A_108 : memref<1x128xi32, #tpu.memory_space<vmem>> -> memref<128xi32, #tpu.memory_space<vmem>>
      %dma_start3A_110 = arith.constant 0 : i32
      %dma_start3A_111 = arith.constant 0 : i32
      %dma_start3A_112 = tpu.memref_slice %arg2[%dma_start3A_110, %dma_start3A_111] : memref<20480x64xf32, #tpu.memory_space<hbm>> -> memref<20480x64xf32, #tpu.memory_space<hbm>>
      tpu.enqueue_indirect_dma source(%dma_start3A_112 : memref<20480x64xf32, #tpu.memory_space<hbm>>) target(%dma_start3A_106 : memref<128x64xf32, #tpu.memory_space<vmem>>) offsets(%dma_start3A_109 : memref<128xi32, #tpu.memory_space<vmem>>) semaphore(%arg12 : memref<!tpu.dma_semaphore, #tpu.memory_space<semaphore_mem>>)
      %dma_wait3A = arith.constant 0 : i32
      %dma_wait3A_113 = arith.constant 0 : i32
      %dma_wait3A_114 = arith.constant 0 : i32
      %dma_wait3A_115 = tpu.memref_slice %arg10[%dma_wait3A_113, %dma_wait3A_114] : memref<1024x64xf32, #tpu.memory_space<vmem>> -> memref<128x64xf32, #tpu.memory_space<vmem>>
      %dma_wait3A_116 = arith.constant 0 : i32
      %dma_wait3A_117 = tpu.memref_slice %arg8[%dma_wait3A, %dma_wait3A_116] : memref<8x128xi32, #tpu.memory_space<vmem>> -> memref<1x128xi32, #tpu.memory_space<vmem>>
      %dma_wait3A_118 = tpu.memref_squeeze %dma_wait3A_117 : memref<1x128xi32, #tpu.memory_space<vmem>> -> memref<128xi32, #tpu.memory_space<vmem>>
      %dma_wait3A_119 = arith.constant 0 : i32
      %dma_wait3A_120 = arith.constant 0 : i32
      %dma_wait3A_121 = tpu.memref_slice %arg2[%dma_wait3A_119, %dma_wait3A_120] : memref<20480x64xf32, #tpu.memory_space<hbm>> -> memref<20480x64xf32, #tpu.memory_space<hbm>>
      tpu.wait_indirect_dma semaphore(%arg12 : memref<!tpu.dma_semaphore, #tpu.memory_space<semaphore_mem>>) src(%dma_wait3A_121 : memref<20480x64xf32, #tpu.memory_space<hbm>>) dst(%dma_wait3A_115 : memref<128x64xf32, #tpu.memory_space<vmem>>)
      %dma_wait3A_122 = arith.constant 1 : i32
      %dma_wait3A_123 = arith.constant 128 : i32
      %dma_wait3A_124 = arith.constant 0 : i32
      %dma_wait3A_125 = tpu.memref_slice %arg10[%dma_wait3A_123, %dma_wait3A_124] : memref<1024x64xf32, #tpu.memory_space<vmem>> -> memref<128x64xf32, #tpu.memory_space<vmem>>
      %dma_wait3A_126 = arith.constant 0 : i32
      %dma_wait3A_127 = tpu.memref_slice %arg8[%dma_wait3A_122, %dma_wait3A_126] : memref<8x128xi32, #tpu.memory_space<vmem>> -> memref<1x128xi32, #tpu.memory_space<vmem>>
      %dma_wait3A_128 = tpu.memref_squeeze %dma_wait3A_127 : memref<1x128xi32, #tpu.memory_space<vmem>> -> memref<128xi32, #tpu.memory_space<vmem>>
      %dma_wait3A_129 = arith.constant 0 : i32
      %dma_wait3A_130 = arith.constant 0 : i32
      %dma_wait3A_131 = tpu.memref_slice %arg2[%dma_wait3A_129, %dma_wait3A_130] : memref<20480x64xf32, #tpu.memory_space<hbm>> -> memref<20480x64xf32, #tpu.memory_space<hbm>>
      tpu.wait_indirect_dma semaphore(%arg12 : memref<!tpu.dma_semaphore, #tpu.memory_space<semaphore_mem>>) src(%dma_wait3A_131 : memref<20480x64xf32, #tpu.memory_space<hbm>>) dst(%dma_wait3A_125 : memref<128x64xf32, #tpu.memory_space<vmem>>)
      %dma_wait3A_132 = arith.constant 2 : i32
      %dma_wait3A_133 = arith.constant 256 : i32
      %dma_wait3A_134 = arith.constant 0 : i32
      %dma_wait3A_135 = tpu.memref_slice %arg10[%dma_wait3A_133, %dma_wait3A_134] : memref<1024x64xf32, #tpu.memory_space<vmem>> -> memref<128x64xf32, #tpu.memory_space<vmem>>
      %dma_wait3A_136 = arith.constant 0 : i32
      %dma_wait3A_137 = tpu.memref_slice %arg8[%dma_wait3A_132, %dma_wait3A_136] : memref<8x128xi32, #tpu.memory_space<vmem>> -> memref<1x128xi32, #tpu.memory_space<vmem>>
      %dma_wait3A_138 = tpu.memref_squeeze %dma_wait3A_137 : memref<1x128xi32, #tpu.memory_space<vmem>> -> memref<128xi32, #tpu.memory_space<vmem>>
      %dma_wait3A_139 = arith.constant 0 : i32
      %dma_wait3A_140 = arith.constant 0 : i32
      %dma_wait3A_141 = tpu.memref_slice %arg2[%dma_wait3A_139, %dma_wait3A_140] : memref<20480x64xf32, #tpu.memory_space<hbm>> -> memref<20480x64xf32, #tpu.memory_space<hbm>>
      tpu.wait_indirect_dma semaphore(%arg12 : memref<!tpu.dma_semaphore, #tpu.memory_space<semaphore_mem>>) src(%dma_wait3A_141 : memref<20480x64xf32, #tpu.memory_space<hbm>>) dst(%dma_wait3A_135 : memref<128x64xf32, #tpu.memory_space<vmem>>)
      %dma_wait3A_142 = arith.constant 3 : i32
      %dma_wait3A_143 = arith.constant 384 : i32
      %dma_wait3A_144 = arith.constant 0 : i32
      %dma_wait3A_145 = tpu.memref_slice %arg10[%dma_wait3A_143, %dma_wait3A_144] : memref<1024x64xf32, #tpu.memory_space<vmem>> -> memref<128x64xf32, #tpu.memory_space<vmem>>
      %dma_wait3A_146 = arith.constant 0 : i32
      %dma_wait3A_147 = tpu.memref_slice %arg8[%dma_wait3A_142, %dma_wait3A_146] : memref<8x128xi32, #tpu.memory_space<vmem>> -> memref<1x128xi32, #tpu.memory_space<vmem>>
      %dma_wait3A_148 = tpu.memref_squeeze %dma_wait3A_147 : memref<1x128xi32, #tpu.memory_space<vmem>> -> memref<128xi32, #tpu.memory_space<vmem>>
      %dma_wait3A_149 = arith.constant 0 : i32
      %dma_wait3A_150 = arith.constant 0 : i32
      %dma_wait3A_151 = tpu.memref_slice %arg2[%dma_wait3A_149, %dma_wait3A_150] : memref<20480x64xf32, #tpu.memory_space<hbm>> -> memref<20480x64xf32, #tpu.memory_space<hbm>>
      tpu.wait_indirect_dma semaphore(%arg12 : memref<!tpu.dma_semaphore, #tpu.memory_space<semaphore_mem>>) src(%dma_wait3A_151 : memref<20480x64xf32, #tpu.memory_space<hbm>>) dst(%dma_wait3A_145 : memref<128x64xf32, #tpu.memory_space<vmem>>)
      %dma_wait3A_152 = arith.constant 4 : i32
      %dma_wait3A_153 = arith.constant 512 : i32
      %dma_wait3A_154 = arith.constant 0 : i32
      %dma_wait3A_155 = tpu.memref_slice %arg10[%dma_wait3A_153, %dma_wait3A_154] : memref<1024x64xf32, #tpu.memory_space<vmem>> -> memref<128x64xf32, #tpu.memory_space<vmem>>
      %dma_wait3A_156 = arith.constant 0 : i32
      %dma_wait3A_157 = tpu.memref_slice %arg8[%dma_wait3A_152, %dma_wait3A_156] : memref<8x128xi32, #tpu.memory_space<vmem>> -> memref<1x128xi32, #tpu.memory_space<vmem>>
      %dma_wait3A_158 = tpu.memref_squeeze %dma_wait3A_157 : memref<1x128xi32, #tpu.memory_space<vmem>> -> memref<128xi32, #tpu.memory_space<vmem>>
      %dma_wait3A_159 = arith.constant 0 : i32
      %dma_wait3A_160 = arith.constant 0 : i32
      %dma_wait3A_161 = tpu.memref_slice %arg2[%dma_wait3A_159, %dma_wait3A_160] : memref<20480x64xf32, #tpu.memory_space<hbm>> -> memref<20480x64xf32, #tpu.memory_space<hbm>>
      tpu.wait_indirect_dma semaphore(%arg12 : memref<!tpu.dma_semaphore, #tpu.memory_space<semaphore_mem>>) src(%dma_wait3A_161 : memref<20480x64xf32, #tpu.memory_space<hbm>>) dst(%dma_wait3A_155 : memref<128x64xf32, #tpu.memory_space<vmem>>)
      %dma_wait3A_162 = arith.constant 5 : i32
      %dma_wait3A_163 = arith.constant 640 : i32
      %dma_wait3A_164 = arith.constant 0 : i32
      %dma_wait3A_165 = tpu.memref_slice %arg10[%dma_wait3A_163, %dma_wait3A_164] : memref<1024x64xf32, #tpu.memory_space<vmem>> -> memref<128x64xf32, #tpu.memory_space<vmem>>
      %dma_wait3A_166 = arith.constant 0 : i32
      %dma_wait3A_167 = tpu.memref_slice %arg8[%dma_wait3A_162, %dma_wait3A_166] : memref<8x128xi32, #tpu.memory_space<vmem>> -> memref<1x128xi32, #tpu.memory_space<vmem>>
      %dma_wait3A_168 = tpu.memref_squeeze %dma_wait3A_167 : memref<1x128xi32, #tpu.memory_space<vmem>> -> memref<128xi32, #tpu.memory_space<vmem>>
      %dma_wait3A_169 = arith.constant 0 : i32
      %dma_wait3A_170 = arith.constant 0 : i32
      %dma_wait3A_171 = tpu.memref_slice %arg2[%dma_wait3A_169, %dma_wait3A_170] : memref<20480x64xf32, #tpu.memory_space<hbm>> -> memref<20480x64xf32, #tpu.memory_space<hbm>>
      tpu.wait_indirect_dma semaphore(%arg12 : memref<!tpu.dma_semaphore, #tpu.memory_space<semaphore_mem>>) src(%dma_wait3A_171 : memref<20480x64xf32, #tpu.memory_space<hbm>>) dst(%dma_wait3A_165 : memref<128x64xf32, #tpu.memory_space<vmem>>)
      %dma_wait3A_172 = arith.constant 6 : i32
      %dma_wait3A_173 = arith.constant 768 : i32
      %dma_wait3A_174 = arith.constant 0 : i32
      %dma_wait3A_175 = tpu.memref_slice %arg10[%dma_wait3A_173, %dma_wait3A_174] : memref<1024x64xf32, #tpu.memory_space<vmem>> -> memref<128x64xf32, #tpu.memory_space<vmem>>
      %dma_wait3A_176 = arith.constant 0 : i32
      %dma_wait3A_177 = tpu.memref_slice %arg8[%dma_wait3A_172, %dma_wait3A_176] : memref<8x128xi32, #tpu.memory_space<vmem>> -> memref<1x128xi32, #tpu.memory_space<vmem>>
      %dma_wait3A_178 = tpu.memref_squeeze %dma_wait3A_177 : memref<1x128xi32, #tpu.memory_space<vmem>> -> memref<128xi32, #tpu.memory_space<vmem>>
      %dma_wait3A_179 = arith.constant 0 : i32
      %dma_wait3A_180 = arith.constant 0 : i32
      %dma_wait3A_181 = tpu.memref_slice %arg2[%dma_wait3A_179, %dma_wait3A_180] : memref<20480x64xf32, #tpu.memory_space<hbm>> -> memref<20480x64xf32, #tpu.memory_space<hbm>>
      tpu.wait_indirect_dma semaphore(%arg12 : memref<!tpu.dma_semaphore, #tpu.memory_space<semaphore_mem>>) src(%dma_wait3A_181 : memref<20480x64xf32, #tpu.memory_space<hbm>>) dst(%dma_wait3A_175 : memref<128x64xf32, #tpu.memory_space<vmem>>)
      %dma_wait3A_182 = arith.constant 7 : i32
      %dma_wait3A_183 = arith.constant 896 : i32
      %dma_wait3A_184 = arith.constant 0 : i32
      %dma_wait3A_185 = tpu.memref_slice %arg10[%dma_wait3A_183, %dma_wait3A_184] : memref<1024x64xf32, #tpu.memory_space<vmem>> -> memref<128x64xf32, #tpu.memory_space<vmem>>
      %dma_wait3A_186 = arith.constant 0 : i32
      %dma_wait3A_187 = tpu.memref_slice %arg8[%dma_wait3A_182, %dma_wait3A_186] : memref<8x128xi32, #tpu.memory_space<vmem>> -> memref<1x128xi32, #tpu.memory_space<vmem>>
      %dma_wait3A_188 = tpu.memref_squeeze %dma_wait3A_187 : memref<1x128xi32, #tpu.memory_space<vmem>> -> memref<128xi32, #tpu.memory_space<vmem>>
      %dma_wait3A_189 = arith.constant 0 : i32
      %dma_wait3A_190 = arith.constant 0 : i32
      %dma_wait3A_191 = tpu.memref_slice %arg2[%dma_wait3A_189, %dma_wait3A_190] : memref<20480x64xf32, #tpu.memory_space<hbm>> -> memref<20480x64xf32, #tpu.memory_space<hbm>>
      tpu.wait_indirect_dma semaphore(%arg12 : memref<!tpu.dma_semaphore, #tpu.memory_space<semaphore_mem>>) src(%dma_wait3A_191 : memref<20480x64xf32, #tpu.memory_space<hbm>>) dst(%dma_wait3A_185 : memref<128x64xf32, #tpu.memory_space<vmem>>)
      %scan3A_192 = arith.constant 0 : i32
      %scan3A_193 = arith.constant 0 : i32
      %scan3A_194 = arith.constant 64 : i32
      %scan3A_195 = arith.addi %scan3A_193, %scan3A_194 : i32
      %scan3A_196 = arith.constant 1 : i32
      %scan3A_197 = scf.for %scan3A_207 = %scan3A_193 to %scan3A_195 step %scan3A_196 iter_args(%scan3A_208 = %scan3A_192) -> (i32)  : i32 {
        %mul3A_209 = arith.constant 16 : i32
        %mul3A_210 = arith.muli %scan3A_207, %mul3A_209 : i32
        %get3A = arith.index_cast %mul3A_210 : i32 to index
        %get3A_211 = tpu.vector_load %arg9[%get3A] {strides = array<i32>} : memref<1024xf32, #tpu.memory_space<vmem>>, vector<16xf32>,
        %get3A_212 = vector.shape_cast %get3A_211 : vector<16xf32> to vector<16xf32>
        %mul3A_213 = arith.constant 16 : i32
        %mul3A_214 = arith.muli %scan3A_207, %mul3A_213 : i32
        %add3A_215 = arith.constant 0 : i32
        %add3A_216 = arith.addi %mul3A_214, %add3A_215 : i32
        %slice3A = vector.extract_strided_slice %get3A_212 {offsets = [0], sizes = [1], strides = [1]} : vector<16xf32> to vector<1xf32>
        %squeeze3A = vector.extract %slice3A[0] : f32 from vector<1xf32>
        %broadcast_in_dim3A_217 = vector.broadcast %squeeze3A : f32 to vector<16xf32>
        %get3A_218 = arith.index_cast %add3A_216 : i32 to index
        %get3A_219 = arith.constant 0 : index
        %get3A_220 = tpu.vector_load %arg10[%get3A_218, %get3A_219] {strides = array<i32>} : memref<1024x64xf32, #tpu.memory_space<vmem>>, vector<1x16xf32>,
        %get3A_221 = vector.shape_cast %get3A_220 : vector<1x16xf32> to vector<16xf32>
        %mul3A_222 = arith.mulf %get3A_221, %broadcast_in_dim3A_217 : vector<16xf32>
        %swap3A = arith.index_cast %add3A_216 : i32 to index
        %swap3A_223 = arith.constant 0 : index
        %swap3A_224 = tpu.vector_load %arg10[%swap3A, %swap3A_223] {strides = array<i32>} : memref<1024x64xf32, #tpu.memory_space<vmem>>, vector<1x16xf32>,
        %swap3A_225 = vector.shape_cast %swap3A_224 : vector<1x16xf32> to vector<16xf32>
        %swap3A_226 = vector.shape_cast %mul3A_222 : vector<16xf32> to vector<1x16xf32>
        tpu.vector_store %arg10[%swap3A, %swap3A_223], %swap3A_226 {strides = array<i32>} : memref<1024x64xf32, #tpu.memory_space<vmem>>, vector<1x16xf32>,
        %get3A_227 = arith.index_cast %add3A_216 : i32 to index
        %get3A_228 = arith.constant 16 : index
        %get3A_229 = tpu.vector_load %arg10[%get3A_227, %get3A_228] {strides = array<i32>} : memref<1024x64xf32, #tpu.memory_space<vmem>>, vector<1x16xf32>,
        %get3A_230 = vector.shape_cast %get3A_229 : vector<1x16xf32> to vector<16xf32>
        %mul3A_231 = arith.mulf %get3A_230, %broadcast_in_dim3A_217 : vector<16xf32>
        %swap3A_232 = arith.index_cast %add3A_216 : i32 to index
        %swap3A_233 = arith.constant 16 : index
        %swap3A_234 = tpu.vector_load %arg10[%swap3A_232, %swap3A_233] {strides = array<i32>} : memref<1024x64xf32, #tpu.memory_space<vmem>>, vector<1x16xf32>,
        %swap3A_235 = vector.shape_cast %swap3A_234 : vector<1x16xf32> to vector<16xf32>
        %swap3A_236 = vector.shape_cast %mul3A_231 : vector<16xf32> to vector<1x16xf32>
        tpu.vector_store %arg10[%swap3A_232, %swap3A_233], %swap3A_236 {strides = array<i32>} : memref<1024x64xf32, #tpu.memory_space<vmem>>, vector<1x16xf32>,
        %get3A_237 = arith.index_cast %add3A_216 : i32 to index
        %get3A_238 = arith.constant 32 : index
        %get3A_239 = tpu.vector_load %arg10[%get3A_237, %get3A_238] {strides = array<i32>} : memref<1024x64xf32, #tpu.memory_space<vmem>>, vector<1x16xf32>,
        %get3A_240 = vector.shape_cast %get3A_239 : vector<1x16xf32> to vector<16xf32>
        %mul3A_241 = arith.mulf %get3A_240, %broadcast_in_dim3A_217 : vector<16xf32>
        %swap3A_242 = arith.index_cast %add3A_216 : i32 to index
        %swap3A_243 = arith.constant 32 : index
        %swap3A_244 = tpu.vector_load %arg10[%swap3A_242, %swap3A_243] {strides = array<i32>} : memref<1024x64xf32, #tpu.memory_space<vmem>>, vector<1x16xf32>,
        %swap3A_245 = vector.shape_cast %swap3A_244 : vector<1x16xf32> to vector<16xf32>
        %swap3A_246 = vector.shape_cast %mul3A_241 : vector<16xf32> to vector<1x16xf32>
        tpu.vector_store %arg10[%swap3A_242, %swap3A_243], %swap3A_246 {strides = array<i32>} : memref<1024x64xf32, #tpu.memory_space<vmem>>, vector<1x16xf32>,
        %get3A_247 = arith.index_cast %add3A_216 : i32 to index
        %get3A_248 = arith.constant 48 : index
        %get3A_249 = tpu.vector_load %arg10[%get3A_247, %get3A_248] {strides = array<i32>} : memref<1024x64xf32, #tpu.memory_space<vmem>>, vector<1x16xf32>,
        %get3A_250 = vector.shape_cast %get3A_249 : vector<1x16xf32> to vector<16xf32>
        %mul3A_251 = arith.mulf %get3A_250, %broadcast_in_dim3A_217 : vector<16xf32>
        %swap3A_252 = arith.index_cast %add3A_216 : i32 to index
        %swap3A_253 = arith.constant 48 : index
        %swap3A_254 = tpu.vector_load %arg10[%swap3A_252, %swap3A_253] {strides = array<i32>} : memref<1024x64xf32, #tpu.memory_space<vmem>>, vector<1x16xf32>,
        %swap3A_255 = vector.shape_cast %swap3A_254 : vector<1x16xf32> to vector<16xf32>
        %swap3A_256 = vector.shape_cast %mul3A_251 : vector<16xf32> to vector<1x16xf32>
        tpu.vector_store %arg10[%swap3A_252, %swap3A_253], %swap3A_256 {strides = array<i32>} : memref<1024x64xf32, #tpu.memory_space<vmem>>, vector<1x16xf32>,
        %mul3A_257 = arith.constant 16 : i32
        %mul3A_258 = arith.muli %scan3A_207, %mul3A_257 : i32
        %add3A_259 = arith.constant 1 : i32
        %add3A_260 = arith.addi %mul3A_258, %add3A_259 : i32
        %slice3A_261 = vector.extract_strided_slice %get3A_212 {offsets = [1], sizes = [1], strides = [1]} : vector<16xf32> to vector<1xf32>
        %squeeze3A_262 = vector.extract %slice3A_261[0] : f32 from vector<1xf32>
        %broadcast_in_dim3A_263 = vector.broadcast %squeeze3A_262 : f32 to vector<16xf32>
        %get3A_264 = arith.index_cast %add3A_260 : i32 to index
        %get3A_265 = arith.constant 0 : index
        %get3A_266 = tpu.vector_load %arg10[%get3A_264, %get3A_265] {strides = array<i32>} : memref<1024x64xf32, #tpu.memory_space<vmem>>, vector<1x16xf32>,
        %get3A_267 = vector.shape_cast %get3A_266 : vector<1x16xf32> to vector<16xf32>
        %mul3A_268 = arith.mulf %get3A_267, %broadcast_in_dim3A_263 : vector<16xf32>
        %swap3A_269 = arith.index_cast %add3A_260 : i32 to index
        %swap3A_270 = arith.constant 0 : index
        %swap3A_271 = tpu.vector_load %arg10[%swap3A_269, %swap3A_270] {strides = array<i32>} : memref<1024x64xf32, #tpu.memory_space<vmem>>, vector<1x16xf32>,
        %swap3A_272 = vector.shape_cast %swap3A_271 : vector<1x16xf32> to vector<16xf32>
        %swap3A_273 = vector.shape_cast %mul3A_268 : vector<16xf32> to vector<1x16xf32>
        tpu.vector_store %arg10[%swap3A_269, %swap3A_270], %swap3A_273 {strides = array<i32>} : memref<1024x64xf32, #tpu.memory_space<vmem>>, vector<1x16xf32>,
        %get3A_274 = arith.index_cast %add3A_260 : i32 to index
        %get3A_275 = arith.constant 16 : index
        %get3A_276 = tpu.vector_load %arg10[%get3A_274, %get3A_275] {strides = array<i32>} : memref<1024x64xf32, #tpu.memory_space<vmem>>, vector<1x16xf32>,
        %get3A_277 = vector.shape_cast %get3A_276 : vector<1x16xf32> to vector<16xf32>
        %mul3A_278 = arith.mulf %get3A_277, %broadcast_in_dim3A_263 : vector<16xf32>
        %swap3A_279 = arith.index_cast %add3A_260 : i32 to index
        %swap3A_280 = arith.constant 16 : index
        %swap3A_281 = tpu.vector_load %arg10[%swap3A_279, %swap3A_280] {strides = array<i32>} : memref<1024x64xf32, #tpu.memory_space<vmem>>, vector<1x16xf32>,
        %swap3A_282 = vector.shape_cast %swap3A_281 : vector<1x16xf32> to vector<16xf32>
        %swap3A_283 = vector.shape_cast %mul3A_278 : vector<16xf32> to vector<1x16xf32>
        tpu.vector_store %arg10[%swap3A_279, %swap3A_280], %swap3A_283 {strides = array<i32>} : memref<1024x64xf32, #tpu.memory_space<vmem>>, vector<1x16xf32>,
        %get3A_284 = arith.index_cast %add3A_260 : i32 to index
        %get3A_285 = arith.constant 32 : index
        %get3A_286 = tpu.vector_load %arg10[%get3A_284, %get3A_285] {strides = array<i32>} : memref<1024x64xf32, #tpu.memory_space<vmem>>, vector<1x16xf32>,
        %get3A_287 = vector.shape_cast %get3A_286 : vector<1x16xf32> to vector<16xf32>
        %mul3A_288 = arith.mulf %get3A_287, %broadcast_in_dim3A_263 : vector<16xf32>
        %swap3A_289 = arith.index_cast %add3A_260 : i32 to index
        %swap3A_290 = arith.constant 32 : index
        %swap3A_291 = tpu.vector_load %arg10[%swap3A_289, %swap3A_290] {strides = array<i32>} : memref<1024x64xf32, #tpu.memory_space<vmem>>, vector<1x16xf32>,
        %swap3A_292 = vector.shape_cast %swap3A_291 : vector<1x16xf32> to vector<16xf32>
        %swap3A_293 = vector.shape_cast %mul3A_288 : vector<16xf32> to vector<1x16xf32>
        tpu.vector_store %arg10[%swap3A_289, %swap3A_290], %swap3A_293 {strides = array<i32>} : memref<1024x64xf32, #tpu.memory_space<vmem>>, vector<1x16xf32>,
        %get3A_294 = arith.index_cast %add3A_260 : i32 to index
        %get3A_295 = arith.constant 48 : index
        %get3A_296 = tpu.vector_load %arg10[%get3A_294, %get3A_295] {strides = array<i32>} : memref<1024x64xf32, #tpu.memory_space<vmem>>, vector<1x16xf32>,
        %get3A_297 = vector.shape_cast %get3A_296 : vector<1x16xf32> to vector<16xf32>
        %mul3A_298 = arith.mulf %get3A_297, %broadcast_in_dim3A_263 : vector<16xf32>
        %swap3A_299 = arith.index_cast %add3A_260 : i32 to index
        %swap3A_300 = arith.constant 48 : index
        %swap3A_301 = tpu.vector_load %arg10[%swap3A_299, %swap3A_300] {strides = array<i32>} : memref<1024x64xf32, #tpu.memory_space<vmem>>, vector<1x16xf32>,
        %swap3A_302 = vector.shape_cast %swap3A_301 : vector<1x16xf32> to vector<16xf32>
        %swap3A_303 = vector.shape_cast %mul3A_298 : vector<16xf32> to vector<1x16xf32>
        tpu.vector_store %arg10[%swap3A_299, %swap3A_300], %swap3A_303 {strides = array<i32>} : memref<1024x64xf32, #tpu.memory_space<vmem>>, vector<1x16xf32>,
        %mul3A_304 = arith.constant 16 : i32
        %mul3A_305 = arith.muli %scan3A_207, %mul3A_304 : i32
        %add3A_306 = arith.constant 2 : i32
        %add3A_307 = arith.addi %mul3A_305, %add3A_306 : i32
        %slice3A_308 = vector.extract_strided_slice %get3A_212 {offsets = [2], sizes = [1], strides = [1]} : vector<16xf32> to vector<1xf32>
        %squeeze3A_309 = vector.extract %slice3A_308[0] : f32 from vector<1xf32>
        %broadcast_in_dim3A_310 = vector.broadcast %squeeze3A_309 : f32 to vector<16xf32>
        %get3A_311 = arith.index_cast %add3A_307 : i32 to index
        %get3A_312 = arith.constant 0 : index
        %get3A_313 = tpu.vector_load %arg10[%get3A_311, %get3A_312] {strides = array<i32>} : memref<1024x64xf32, #tpu.memory_space<vmem>>, vector<1x16xf32>,
        %get3A_314 = vector.shape_cast %get3A_313 : vector<1x16xf32> to vector<16xf32>
        %mul3A_315 = arith.mulf %get3A_314, %broadcast_in_dim3A_310 : vector<16xf32>
        %swap3A_316 = arith.index_cast %add3A_307 : i32 to index
        %swap3A_317 = arith.constant 0 : index
        %swap3A_318 = tpu.vector_load %arg10[%swap3A_316, %swap3A_317] {strides = array<i32>} : memref<1024x64xf32, #tpu.memory_space<vmem>>, vector<1x16xf32>,
        %swap3A_319 = vector.shape_cast %swap3A_318 : vector<1x16xf32> to vector<16xf32>
        %swap3A_320 = vector.shape_cast %mul3A_315 : vector<16xf32> to vector<1x16xf32>
        tpu.vector_store %arg10[%swap3A_316, %swap3A_317], %swap3A_320 {strides = array<i32>} : memref<1024x64xf32, #tpu.memory_space<vmem>>, vector<1x16xf32>,
        %get3A_321 = arith.index_cast %add3A_307 : i32 to index
        %get3A_322 = arith.constant 16 : index
        %get3A_323 = tpu.vector_load %arg10[%get3A_321, %get3A_322] {strides = array<i32>} : memref<1024x64xf32, #tpu.memory_space<vmem>>, vector<1x16xf32>,
        %get3A_324 = vector.shape_cast %get3A_323 : vector<1x16xf32> to vector<16xf32>
        %mul3A_325 = arith.mulf %get3A_324, %broadcast_in_dim3A_310 : vector<16xf32>
        %swap3A_326 = arith.index_cast %add3A_307 : i32 to index
        %swap3A_327 = arith.constant 16 : index
        %swap3A_328 = tpu.vector_load %arg10[%swap3A_326, %swap3A_327] {strides = array<i32>} : memref<1024x64xf32, #tpu.memory_space<vmem>>, vector<1x16xf32>,
        %swap3A_329 = vector.shape_cast %swap3A_328 : vector<1x16xf32> to vector<16xf32>
        %swap3A_330 = vector.shape_cast %mul3A_325 : vector<16xf32> to vector<1x16xf32>
        tpu.vector_store %arg10[%swap3A_326, %swap3A_327], %swap3A_330 {strides = array<i32>} : memref<1024x64xf32, #tpu.memory_space<vmem>>, vector<1x16xf32>,
        %get3A_331 = arith.index_cast %add3A_307 : i32 to index
        %get3A_332 = arith.constant 32 : index
        %get3A_333 = tpu.vector_load %arg10[%get3A_331, %get3A_332] {strides = array<i32>} : memref<1024x64xf32, #tpu.memory_space<vmem>>, vector<1x16xf32>,
        %get3A_334 = vector.shape_cast %get3A_333 : vector<1x16xf32> to vector<16xf32>
        %mul3A_335 = arith.mulf %get3A_334, %broadcast_in_dim3A_310 : vector<16xf32>
        %swap3A_336 = arith.index_cast %add3A_307 : i32 to index
        %swap3A_337 = arith.constant 32 : index
        %swap3A_338 = tpu.vector_load %arg10[%swap3A_336, %swap3A_337] {strides = array<i32>} : memref<1024x64xf32, #tpu.memory_space<vmem>>, vector<1x16xf32>,
        %swap3A_339 = vector.shape_cast %swap3A_338 : vector<1x16xf32> to vector<16xf32>
        %swap3A_340 = vector.shape_cast %mul3A_335 : vector<16xf32> to vector<1x16xf32>
        tpu.vector_store %arg10[%swap3A_336, %swap3A_337], %swap3A_340 {strides = array<i32>} : memref<1024x64xf32, #tpu.memory_space<vmem>>, vector<1x16xf32>,
        %get3A_341 = arith.index_cast %add3A_307 : i32 to index
        %get3A_342 = arith.constant 48 : index
        %get3A_343 = tpu.vector_load %arg10[%get3A_341, %get3A_342] {strides = array<i32>} : memref<1024x64xf32, #tpu.memory_space<vmem>>, vector<1x16xf32>,
        %get3A_344 = vector.shape_cast %get3A_343 : vector<1x16xf32> to vector<16xf32>
        %mul3A_345 = arith.mulf %get3A_344, %broadcast_in_dim3A_310 : vector<16xf32>
        %swap3A_346 = arith.index_cast %add3A_307 : i32 to index
        %swap3A_347 = arith.constant 48 : index
        %swap3A_348 = tpu.vector_load %arg10[%swap3A_346, %swap3A_347] {strides = array<i32>} : memref<1024x64xf32, #tpu.memory_space<vmem>>, vector<1x16xf32>,
        %swap3A_349 = vector.shape_cast %swap3A_348 : vector<1x16xf32> to vector<16xf32>
        %swap3A_350 = vector.shape_cast %mul3A_345 : vector<16xf32> to vector<1x16xf32>
        tpu.vector_store %arg10[%swap3A_346, %swap3A_347], %swap3A_350 {strides = array<i32>} : memref<1024x64xf32, #tpu.memory_space<vmem>>, vector<1x16xf32>,
        %mul3A_351 = arith.constant 16 : i32
        %mul3A_352 = arith.muli %scan3A_207, %mul3A_351 : i32
        %add3A_353 = arith.constant 3 : i32
        %add3A_354 = arith.addi %mul3A_352, %add3A_353 : i32
        %slice3A_355 = vector.extract_strided_slice %get3A_212 {offsets = [3], sizes = [1], strides = [1]} : vector<16xf32> to vector<1xf32>
        %squeeze3A_356 = vector.extract %slice3A_355[0] : f32 from vector<1xf32>
        %broadcast_in_dim3A_357 = vector.broadcast %squeeze3A_356 : f32 to vector<16xf32>
        %get3A_358 = arith.index_cast %add3A_354 : i32 to index
        %get3A_359 = arith.constant 0 : index
        %get3A_360 = tpu.vector_load %arg10[%get3A_358, %get3A_359] {strides = array<i32>} : memref<1024x64xf32, #tpu.memory_space<vmem>>, vector<1x16xf32>,
        %get3A_361 = vector.shape_cast %get3A_360 : vector<1x16xf32> to vector<16xf32>
        %mul3A_362 = arith.mulf %get3A_361, %broadcast_in_dim3A_357 : vector<16xf32>
        %swap3A_363 = arith.index_cast %add3A_354 : i32 to index
        %swap3A_364 = arith.constant 0 : index
        %swap3A_365 = tpu.vector_load %arg10[%swap3A_363, %swap3A_364] {strides = array<i32>} : memref<1024x64xf32, #tpu.memory_space<vmem>>, vector<1x16xf32>,
        %swap3A_366 = vector.shape_cast %swap3A_365 : vector<1x16xf32> to vector<16xf32>
        %swap3A_367 = vector.shape_cast %mul3A_362 : vector<16xf32> to vector<1x16xf32>
        tpu.vector_store %arg10[%swap3A_363, %swap3A_364], %swap3A_367 {strides = array<i32>} : memref<1024x64xf32, #tpu.memory_space<vmem>>, vector<1x16xf32>,
        %get3A_368 = arith.index_cast %add3A_354 : i32 to index
        %get3A_369 = arith.constant 16 : index
        %get3A_370 = tpu.vector_load %arg10[%get3A_368, %get3A_369] {strides = array<i32>} : memref<1024x64xf32, #tpu.memory_space<vmem>>, vector<1x16xf32>,
        %get3A_371 = vector.shape_cast %get3A_370 : vector<1x16xf32> to vector<16xf32>
        %mul3A_372 = arith.mulf %get3A_371, %broadcast_in_dim3A_357 : vector<16xf32>
        %swap3A_373 = arith.index_cast %add3A_354 : i32 to index
        %swap3A_374 = arith.constant 16 : index
        %swap3A_375 = tpu.vector_load %arg10[%swap3A_373, %swap3A_374] {strides = array<i32>} : memref<1024x64xf32, #tpu.memory_space<vmem>>, vector<1x16xf32>,
        %swap3A_376 = vector.shape_cast %swap3A_375 : vector<1x16xf32> to vector<16xf32>
        %swap3A_377 = vector.shape_cast %mul3A_372 : vector<16xf32> to vector<1x16xf32>
        tpu.vector_store %arg10[%swap3A_373, %swap3A_374], %swap3A_377 {strides = array<i32>} : memref<1024x64xf32, #tpu.memory_space<vmem>>, vector<1x16xf32>,
        %get3A_378 = arith.index_cast %add3A_354 : i32 to index
        %get3A_379 = arith.constant 32 : index
        %get3A_380 = tpu.vector_load %arg10[%get3A_378, %get3A_379] {strides = array<i32>} : memref<1024x64xf32, #tpu.memory_space<vmem>>, vector<1x16xf32>,
        %get3A_381 = vector.shape_cast %get3A_380 : vector<1x16xf32> to vector<16xf32>
        %mul3A_382 = arith.mulf %get3A_381, %broadcast_in_dim3A_357 : vector<16xf32>
        %swap3A_383 = arith.index_cast %add3A_354 : i32 to index
        %swap3A_384 = arith.constant 32 : index
        %swap3A_385 = tpu.vector_load %arg10[%swap3A_383, %swap3A_384] {strides = array<i32>} : memref<1024x64xf32, #tpu.memory_space<vmem>>, vector<1x16xf32>,
        %swap3A_386 = vector.shape_cast %swap3A_385 : vector<1x16xf32> to vector<16xf32>
        %swap3A_387 = vector.shape_cast %mul3A_382 : vector<16xf32> to vector<1x16xf32>
        tpu.vector_store %arg10[%swap3A_383, %swap3A_384], %swap3A_387 {strides = array<i32>} : memref<1024x64xf32, #tpu.memory_space<vmem>>, vector<1x16xf32>,
        %get3A_388 = arith.index_cast %add3A_354 : i32 to index
        %get3A_389 = arith.constant 48 : index
        %get3A_390 = tpu.vector_load %arg10[%get3A_388, %get3A_389] {strides = array<i32>} : memref<1024x64xf32, #tpu.memory_space<vmem>>, vector<1x16xf32>,
        %get3A_391 = vector.shape_cast %get3A_390 : vector<1x16xf32> to vector<16xf32>
        %mul3A_392 = arith.mulf %get3A_391, %broadcast_in_dim3A_357 : vector<16xf32>
        %swap3A_393 = arith.index_cast %add3A_354 : i32 to index
        %swap3A_394 = arith.constant 48 : index
        %swap3A_395 = tpu.vector_load %arg10[%swap3A_393, %swap3A_394] {strides = array<i32>} : memref<1024x64xf32, #tpu.memory_space<vmem>>, vector<1x16xf32>,
        %swap3A_396 = vector.shape_cast %swap3A_395 : vector<1x16xf32> to vector<16xf32>
        %swap3A_397 = vector.shape_cast %mul3A_392 : vector<16xf32> to vector<1x16xf32>
        tpu.vector_store %arg10[%swap3A_393, %swap3A_394], %swap3A_397 {strides = array<i32>} : memref<1024x64xf32, #tpu.memory_space<vmem>>, vector<1x16xf32>,
        %mul3A_398 = arith.constant 16 : i32
        %mul3A_399 = arith.muli %scan3A_207, %mul3A_398 : i32
        %add3A_400 = arith.constant 4 : i32
        %add3A_401 = arith.addi %mul3A_399, %add3A_400 : i32
        %slice3A_402 = vector.extract_strided_slice %get3A_212 {offsets = [4], sizes = [1], strides = [1]} : vector<16xf32> to vector<1xf32>
        %squeeze3A_403 = vector.extract %slice3A_402[0] : f32 from vector<1xf32>
        %broadcast_in_dim3A_404 = vector.broadcast %squeeze3A_403 : f32 to vector<16xf32>
        %get3A_405 = arith.index_cast %add3A_401 : i32 to index
        %get3A_406 = arith.constant 0 : index
        %get3A_407 = tpu.vector_load %arg10[%get3A_405, %get3A_406] {strides = array<i32>} : memref<1024x64xf32, #tpu.memory_space<vmem>>, vector<1x16xf32>,
        %get3A_408 = vector.shape_cast %get3A_407 : vector<1x16xf32> to vector<16xf32>
        %mul3A_409 = arith.mulf %get3A_408, %broadcast_in_dim3A_404 : vector<16xf32>
        %swap3A_410 = arith.index_cast %add3A_401 : i32 to index
        %swap3A_411 = arith.constant 0 : index
        %swap3A_412 = tpu.vector_load %arg10[%swap3A_410, %swap3A_411] {strides = array<i32>} : memref<1024x64xf32, #tpu.memory_space<vmem>>, vector<1x16xf32>,
        %swap3A_413 = vector.shape_cast %swap3A_412 : vector<1x16xf32> to vector<16xf32>
        %swap3A_414 = vector.shape_cast %mul3A_409 : vector<16xf32> to vector<1x16xf32>
        tpu.vector_store %arg10[%swap3A_410, %swap3A_411], %swap3A_414 {strides = array<i32>} : memref<1024x64xf32, #tpu.memory_space<vmem>>, vector<1x16xf32>,
        %get3A_415 = arith.index_cast %add3A_401 : i32 to index
        %get3A_416 = arith.constant 16 : index
        %get3A_417 = tpu.vector_load %arg10[%get3A_415, %get3A_416] {strides = array<i32>} : memref<1024x64xf32, #tpu.memory_space<vmem>>, vector<1x16xf32>,
        %get3A_418 = vector.shape_cast %get3A_417 : vector<1x16xf32> to vector<16xf32>
        %mul3A_419 = arith.mulf %get3A_418, %broadcast_in_dim3A_404 : vector<16xf32>
        %swap3A_420 = arith.index_cast %add3A_401 : i32 to index
        %swap3A_421 = arith.constant 16 : index
        %swap3A_422 = tpu.vector_load %arg10[%swap3A_420, %swap3A_421] {strides = array<i32>} : memref<1024x64xf32, #tpu.memory_space<vmem>>, vector<1x16xf32>,
        %swap3A_423 = vector.shape_cast %swap3A_422 : vector<1x16xf32> to vector<16xf32>
        %swap3A_424 = vector.shape_cast %mul3A_419 : vector<16xf32> to vector<1x16xf32>
        tpu.vector_store %arg10[%swap3A_420, %swap3A_421], %swap3A_424 {strides = array<i32>} : memref<1024x64xf32, #tpu.memory_space<vmem>>, vector<1x16xf32>,
        %get3A_425 = arith.index_cast %add3A_401 : i32 to index
        %get3A_426 = arith.constant 32 : index
        %get3A_427 = tpu.vector_load %arg10[%get3A_425, %get3A_426] {strides = array<i32>} : memref<1024x64xf32, #tpu.memory_space<vmem>>, vector<1x16xf32>,
        %get3A_428 = vector.shape_cast %get3A_427 : vector<1x16xf32> to vector<16xf32>
        %mul3A_429 = arith.mulf %get3A_428, %broadcast_in_dim3A_404 : vector<16xf32>
        %swap3A_430 = arith.index_cast %add3A_401 : i32 to index
        %swap3A_431 = arith.constant 32 : index
        %swap3A_432 = tpu.vector_load %arg10[%swap3A_430, %swap3A_431] {strides = array<i32>} : memref<1024x64xf32, #tpu.memory_space<vmem>>, vector<1x16xf32>,
        %swap3A_433 = vector.shape_cast %swap3A_432 : vector<1x16xf32> to vector<16xf32>
        %swap3A_434 = vector.shape_cast %mul3A_429 : vector<16xf32> to vector<1x16xf32>
        tpu.vector_store %arg10[%swap3A_430, %swap3A_431], %swap3A_434 {strides = array<i32>} : memref<1024x64xf32, #tpu.memory_space<vmem>>, vector<1x16xf32>,
        %get3A_435 = arith.index_cast %add3A_401 : i32 to index
        %get3A_436 = arith.constant 48 : index
        %get3A_437 = tpu.vector_load %arg10[%get3A_435, %get3A_436] {strides = array<i32>} : memref<1024x64xf32, #tpu.memory_space<vmem>>, vector<1x16xf32>,
        %get3A_438 = vector.shape_cast %get3A_437 : vector<1x16xf32> to vector<16xf32>
        %mul3A_439 = arith.mulf %get3A_438, %broadcast_in_dim3A_404 : vector<16xf32>
        %swap3A_440 = arith.index_cast %add3A_401 : i32 to index
        %swap3A_441 = arith.constant 48 : index
        %swap3A_442 = tpu.vector_load %arg10[%swap3A_440, %swap3A_441] {strides = array<i32>} : memref<1024x64xf32, #tpu.memory_space<vmem>>, vector<1x16xf32>,
        %swap3A_443 = vector.shape_cast %swap3A_442 : vector<1x16xf32> to vector<16xf32>
        %swap3A_444 = vector.shape_cast %mul3A_439 : vector<16xf32> to vector<1x16xf32>
        tpu.vector_store %arg10[%swap3A_440, %swap3A_441], %swap3A_444 {strides = array<i32>} : memref<1024x64xf32, #tpu.memory_space<vmem>>, vector<1x16xf32>,
        %mul3A_445 = arith.constant 16 : i32
        %mul3A_446 = arith.muli %scan3A_207, %mul3A_445 : i32
        %add3A_447 = arith.constant 5 : i32
        %add3A_448 = arith.addi %mul3A_446, %add3A_447 : i32
        %slice3A_449 = vector.extract_strided_slice %get3A_212 {offsets = [5], sizes = [1], strides = [1]} : vector<16xf32> to vector<1xf32>
        %squeeze3A_450 = vector.extract %slice3A_449[0] : f32 from vector<1xf32>
        %broadcast_in_dim3A_451 = vector.broadcast %squeeze3A_450 : f32 to vector<16xf32>
        %get3A_452 = arith.index_cast %add3A_448 : i32 to index
        %get3A_453 = arith.constant 0 : index
        %get3A_454 = tpu.vector_load %arg10[%get3A_452, %get3A_453] {strides = array<i32>} : memref<1024x64xf32, #tpu.memory_space<vmem>>, vector<1x16xf32>,
        %get3A_455 = vector.shape_cast %get3A_454 : vector<1x16xf32> to vector<16xf32>
        %mul3A_456 = arith.mulf %get3A_455, %broadcast_in_dim3A_451 : vector<16xf32>
        %swap3A_457 = arith.index_cast %add3A_448 : i32 to index
        %swap3A_458 = arith.constant 0 : index
        %swap3A_459 = tpu.vector_load %arg10[%swap3A_457, %swap3A_458] {strides = array<i32>} : memref<1024x64xf32, #tpu.memory_space<vmem>>, vector<1x16xf32>,
        %swap3A_460 = vector.shape_cast %swap3A_459 : vector<1x16xf32> to vector<16xf32>
        %swap3A_461 = vector.shape_cast %mul3A_456 : vector<16xf32> to vector<1x16xf32>
        tpu.vector_store %arg10[%swap3A_457, %swap3A_458], %swap3A_461 {strides = array<i32>} : memref<1024x64xf32, #tpu.memory_space<vmem>>, vector<1x16xf32>,
        %get3A_462 = arith.index_cast %add3A_448 : i32 to index
        %get3A_463 = arith.constant 16 : index
        %get3A_464 = tpu.vector_load %arg10[%get3A_462, %get3A_463] {strides = array<i32>} : memref<1024x64xf32, #tpu.memory_space<vmem>>, vector<1x16xf32>,
        %get3A_465 = vector.shape_cast %get3A_464 : vector<1x16xf32> to vector<16xf32>
        %mul3A_466 = arith.mulf %get3A_465, %broadcast_in_dim3A_451 : vector<16xf32>
        %swap3A_467 = arith.index_cast %add3A_448 : i32 to index
        %swap3A_468 = arith.constant 16 : index
        %swap3A_469 = tpu.vector_load %arg10[%swap3A_467, %swap3A_468] {strides = array<i32>} : memref<1024x64xf32, #tpu.memory_space<vmem>>, vector<1x16xf32>,
        %swap3A_470 = vector.shape_cast %swap3A_469 : vector<1x16xf32> to vector<16xf32>
        %swap3A_471 = vector.shape_cast %mul3A_466 : vector<16xf32> to vector<1x16xf32>
        tpu.vector_store %arg10[%swap3A_467, %swap3A_468], %swap3A_471 {strides = array<i32>} : memref<1024x64xf32, #tpu.memory_space<vmem>>, vector<1x16xf32>,
        %get3A_472 = arith.index_cast %add3A_448 : i32 to index
        %get3A_473 = arith.constant 32 : index
        %get3A_474 = tpu.vector_load %arg10[%get3A_472, %get3A_473] {strides = array<i32>} : memref<1024x64xf32, #tpu.memory_space<vmem>>, vector<1x16xf32>,
        %get3A_475 = vector.shape_cast %get3A_474 : vector<1x16xf32> to vector<16xf32>
        %mul3A_476 = arith.mulf %get3A_475, %broadcast_in_dim3A_451 : vector<16xf32>
        %swap3A_477 = arith.index_cast %add3A_448 : i32 to index
        %swap3A_478 = arith.constant 32 : index
        %swap3A_479 = tpu.vector_load %arg10[%swap3A_477, %swap3A_478] {strides = array<i32>} : memref<1024x64xf32, #tpu.memory_space<vmem>>, vector<1x16xf32>,
        %swap3A_480 = vector.shape_cast %swap3A_479 : vector<1x16xf32> to vector<16xf32>
        %swap3A_481 = vector.shape_cast %mul3A_476 : vector<16xf32> to vector<1x16xf32>
        tpu.vector_store %arg10[%swap3A_477, %swap3A_478], %swap3A_481 {strides = array<i32>} : memref<1024x64xf32, #tpu.memory_space<vmem>>, vector<1x16xf32>,
        %get3A_482 = arith.index_cast %add3A_448 : i32 to index
        %get3A_483 = arith.constant 48 : index
        %get3A_484 = tpu.vector_load %arg10[%get3A_482, %get3A_483] {strides = array<i32>} : memref<1024x64xf32, #tpu.memory_space<vmem>>, vector<1x16xf32>,
        %get3A_485 = vector.shape_cast %get3A_484 : vector<1x16xf32> to vector<16xf32>
        %mul3A_486 = arith.mulf %get3A_485, %broadcast_in_dim3A_451 : vector<16xf32>
        %swap3A_487 = arith.index_cast %add3A_448 : i32 to index
        %swap3A_488 = arith.constant 48 : index
        %swap3A_489 = tpu.vector_load %arg10[%swap3A_487, %swap3A_488] {strides = array<i32>} : memref<1024x64xf32, #tpu.memory_space<vmem>>, vector<1x16xf32>,
        %swap3A_490 = vector.shape_cast %swap3A_489 : vector<1x16xf32> to vector<16xf32>
        %swap3A_491 = vector.shape_cast %mul3A_486 : vector<16xf32> to vector<1x16xf32>
        tpu.vector_store %arg10[%swap3A_487, %swap3A_488], %swap3A_491 {strides = array<i32>} : memref<1024x64xf32, #tpu.memory_space<vmem>>, vector<1x16xf32>,
        %mul3A_492 = arith.constant 16 : i32
        %mul3A_493 = arith.muli %scan3A_207, %mul3A_492 : i32
        %add3A_494 = arith.constant 6 : i32
        %add3A_495 = arith.addi %mul3A_493, %add3A_494 : i32
        %slice3A_496 = vector.extract_strided_slice %get3A_212 {offsets = [6], sizes = [1], strides = [1]} : vector<16xf32> to vector<1xf32>
        %squeeze3A_497 = vector.extract %slice3A_496[0] : f32 from vector<1xf32>
        %broadcast_in_dim3A_498 = vector.broadcast %squeeze3A_497 : f32 to vector<16xf32>
        %get3A_499 = arith.index_cast %add3A_495 : i32 to index
        %get3A_500 = arith.constant 0 : index
        %get3A_501 = tpu.vector_load %arg10[%get3A_499, %get3A_500] {strides = array<i32>} : memref<1024x64xf32, #tpu.memory_space<vmem>>, vector<1x16xf32>,
        %get3A_502 = vector.shape_cast %get3A_501 : vector<1x16xf32> to vector<16xf32>
        %mul3A_503 = arith.mulf %get3A_502, %broadcast_in_dim3A_498 : vector<16xf32>
        %swap3A_504 = arith.index_cast %add3A_495 : i32 to index
        %swap3A_505 = arith.constant 0 : index
        %swap3A_506 = tpu.vector_load %arg10[%swap3A_504, %swap3A_505] {strides = array<i32>} : memref<1024x64xf32, #tpu.memory_space<vmem>>, vector<1x16xf32>,
        %swap3A_507 = vector.shape_cast %swap3A_506 : vector<1x16xf32> to vector<16xf32>
        %swap3A_508 = vector.shape_cast %mul3A_503 : vector<16xf32> to vector<1x16xf32>
        tpu.vector_store %arg10[%swap3A_504, %swap3A_505], %swap3A_508 {strides = array<i32>} : memref<1024x64xf32, #tpu.memory_space<vmem>>, vector<1x16xf32>,
        %get3A_509 = arith.index_cast %add3A_495 : i32 to index
        %get3A_510 = arith.constant 16 : index
        %get3A_511 = tpu.vector_load %arg10[%get3A_509, %get3A_510] {strides = array<i32>} : memref<1024x64xf32, #tpu.memory_space<vmem>>, vector<1x16xf32>,
        %get3A_512 = vector.shape_cast %get3A_511 : vector<1x16xf32> to vector<16xf32>
        %mul3A_513 = arith.mulf %get3A_512, %broadcast_in_dim3A_498 : vector<16xf32>
        %swap3A_514 = arith.index_cast %add3A_495 : i32 to index
        %swap3A_515 = arith.constant 16 : index
        %swap3A_516 = tpu.vector_load %arg10[%swap3A_514, %swap3A_515] {strides = array<i32>} : memref<1024x64xf32, #tpu.memory_space<vmem>>, vector<1x16xf32>,
        %swap3A_517 = vector.shape_cast %swap3A_516 : vector<1x16xf32> to vector<16xf32>
        %swap3A_518 = vector.shape_cast %mul3A_513 : vector<16xf32> to vector<1x16xf32>
        tpu.vector_store %arg10[%swap3A_514, %swap3A_515], %swap3A_518 {strides = array<i32>} : memref<1024x64xf32, #tpu.memory_space<vmem>>, vector<1x16xf32>,
        %get3A_519 = arith.index_cast %add3A_495 : i32 to index
        %get3A_520 = arith.constant 32 : index
        %get3A_521 = tpu.vector_load %arg10[%get3A_519, %get3A_520] {strides = array<i32>} : memref<1024x64xf32, #tpu.memory_space<vmem>>, vector<1x16xf32>,
        %get3A_522 = vector.shape_cast %get3A_521 : vector<1x16xf32> to vector<16xf32>
        %mul3A_523 = arith.mulf %get3A_522, %broadcast_in_dim3A_498 : vector<16xf32>
        %swap3A_524 = arith.index_cast %add3A_495 : i32 to index
        %swap3A_525 = arith.constant 32 : index
        %swap3A_526 = tpu.vector_load %arg10[%swap3A_524, %swap3A_525] {strides = array<i32>} : memref<1024x64xf32, #tpu.memory_space<vmem>>, vector<1x16xf32>,
        %swap3A_527 = vector.shape_cast %swap3A_526 : vector<1x16xf32> to vector<16xf32>
        %swap3A_528 = vector.shape_cast %mul3A_523 : vector<16xf32> to vector<1x16xf32>
        tpu.vector_store %arg10[%swap3A_524, %swap3A_525], %swap3A_528 {strides = array<i32>} : memref<1024x64xf32, #tpu.memory_space<vmem>>, vector<1x16xf32>,
        %get3A_529 = arith.index_cast %add3A_495 : i32 to index
        %get3A_530 = arith.constant 48 : index
        %get3A_531 = tpu.vector_load %arg10[%get3A_529, %get3A_530] {strides = array<i32>} : memref<1024x64xf32, #tpu.memory_space<vmem>>, vector<1x16xf32>,
        %get3A_532 = vector.shape_cast %get3A_531 : vector<1x16xf32> to vector<16xf32>
        %mul3A_533 = arith.mulf %get3A_532, %broadcast_in_dim3A_498 : vector<16xf32>
        %swap3A_534 = arith.index_cast %add3A_495 : i32 to index
        %swap3A_535 = arith.constant 48 : index
        %swap3A_536 = tpu.vector_load %arg10[%swap3A_534, %swap3A_535] {strides = array<i32>} : memref<1024x64xf32, #tpu.memory_space<vmem>>, vector<1x16xf32>,
        %swap3A_537 = vector.shape_cast %swap3A_536 : vector<1x16xf32> to vector<16xf32>
        %swap3A_538 = vector.shape_cast %mul3A_533 : vector<16xf32> to vector<1x16xf32>
        tpu.vector_store %arg10[%swap3A_534, %swap3A_535], %swap3A_538 {strides = array<i32>} : memref<1024x64xf32, #tpu.memory_space<vmem>>, vector<1x16xf32>,
        %mul3A_539 = arith.constant 16 : i32
        %mul3A_540 = arith.muli %scan3A_207, %mul3A_539 : i32
        %add3A_541 = arith.constant 7 : i32
        %add3A_542 = arith.addi %mul3A_540, %add3A_541 : i32
        %slice3A_543 = vector.extract_strided_slice %get3A_212 {offsets = [7], sizes = [1], strides = [1]} : vector<16xf32> to vector<1xf32>
        %squeeze3A_544 = vector.extract %slice3A_543[0] : f32 from vector<1xf32>
        %broadcast_in_dim3A_545 = vector.broadcast %squeeze3A_544 : f32 to vector<16xf32>
        %get3A_546 = arith.index_cast %add3A_542 : i32 to index
        %get3A_547 = arith.constant 0 : index
        %get3A_548 = tpu.vector_load %arg10[%get3A_546, %get3A_547] {strides = array<i32>} : memref<1024x64xf32, #tpu.memory_space<vmem>>, vector<1x16xf32>,
        %get3A_549 = vector.shape_cast %get3A_548 : vector<1x16xf32> to vector<16xf32>
        %mul3A_550 = arith.mulf %get3A_549, %broadcast_in_dim3A_545 : vector<16xf32>
        %swap3A_551 = arith.index_cast %add3A_542 : i32 to index
        %swap3A_552 = arith.constant 0 : index
        %swap3A_553 = tpu.vector_load %arg10[%swap3A_551, %swap3A_552] {strides = array<i32>} : memref<1024x64xf32, #tpu.memory_space<vmem>>, vector<1x16xf32>,
        %swap3A_554 = vector.shape_cast %swap3A_553 : vector<1x16xf32> to vector<16xf32>
        %swap3A_555 = vector.shape_cast %mul3A_550 : vector<16xf32> to vector<1x16xf32>
        tpu.vector_store %arg10[%swap3A_551, %swap3A_552], %swap3A_555 {strides = array<i32>} : memref<1024x64xf32, #tpu.memory_space<vmem>>, vector<1x16xf32>,
        %get3A_556 = arith.index_cast %add3A_542 : i32 to index
        %get3A_557 = arith.constant 16 : index
        %get3A_558 = tpu.vector_load %arg10[%get3A_556, %get3A_557] {strides = array<i32>} : memref<1024x64xf32, #tpu.memory_space<vmem>>, vector<1x16xf32>,
        %get3A_559 = vector.shape_cast %get3A_558 : vector<1x16xf32> to vector<16xf32>
        %mul3A_560 = arith.mulf %get3A_559, %broadcast_in_dim3A_545 : vector<16xf32>
        %swap3A_561 = arith.index_cast %add3A_542 : i32 to index
        %swap3A_562 = arith.constant 16 : index
        %swap3A_563 = tpu.vector_load %arg10[%swap3A_561, %swap3A_562] {strides = array<i32>} : memref<1024x64xf32, #tpu.memory_space<vmem>>, vector<1x16xf32>,
        %swap3A_564 = vector.shape_cast %swap3A_563 : vector<1x16xf32> to vector<16xf32>
        %swap3A_565 = vector.shape_cast %mul3A_560 : vector<16xf32> to vector<1x16xf32>
        tpu.vector_store %arg10[%swap3A_561, %swap3A_562], %swap3A_565 {strides = array<i32>} : memref<1024x64xf32, #tpu.memory_space<vmem>>, vector<1x16xf32>,
        %get3A_566 = arith.index_cast %add3A_542 : i32 to index
        %get3A_567 = arith.constant 32 : index
        %get3A_568 = tpu.vector_load %arg10[%get3A_566, %get3A_567] {strides = array<i32>} : memref<1024x64xf32, #tpu.memory_space<vmem>>, vector<1x16xf32>,
        %get3A_569 = vector.shape_cast %get3A_568 : vector<1x16xf32> to vector<16xf32>
        %mul3A_570 = arith.mulf %get3A_569, %broadcast_in_dim3A_545 : vector<16xf32>
        %swap3A_571 = arith.index_cast %add3A_542 : i32 to index
        %swap3A_572 = arith.constant 32 : index
        %swap3A_573 = tpu.vector_load %arg10[%swap3A_571, %swap3A_572] {strides = array<i32>} : memref<1024x64xf32, #tpu.memory_space<vmem>>, vector<1x16xf32>,
        %swap3A_574 = vector.shape_cast %swap3A_573 : vector<1x16xf32> to vector<16xf32>
        %swap3A_575 = vector.shape_cast %mul3A_570 : vector<16xf32> to vector<1x16xf32>
        tpu.vector_store %arg10[%swap3A_571, %swap3A_572], %swap3A_575 {strides = array<i32>} : memref<1024x64xf32, #tpu.memory_space<vmem>>, vector<1x16xf32>,
        %get3A_576 = arith.index_cast %add3A_542 : i32 to index
        %get3A_577 = arith.constant 48 : index
        %get3A_578 = tpu.vector_load %arg10[%get3A_576, %get3A_577] {strides = array<i32>} : memref<1024x64xf32, #tpu.memory_space<vmem>>, vector<1x16xf32>,
        %get3A_579 = vector.shape_cast %get3A_578 : vector<1x16xf32> to vector<16xf32>
        %mul3A_580 = arith.mulf %get3A_579, %broadcast_in_dim3A_545 : vector<16xf32>
        %swap3A_581 = arith.index_cast %add3A_542 : i32 to index
        %swap3A_582 = arith.constant 48 : index
        %swap3A_583 = tpu.vector_load %arg10[%swap3A_581, %swap3A_582] {strides = array<i32>} : memref<1024x64xf32, #tpu.memory_space<vmem>>, vector<1x16xf32>,
        %swap3A_584 = vector.shape_cast %swap3A_583 : vector<1x16xf32> to vector<16xf32>
        %swap3A_585 = vector.shape_cast %mul3A_580 : vector<16xf32> to vector<1x16xf32>
        tpu.vector_store %arg10[%swap3A_581, %swap3A_582], %swap3A_585 {strides = array<i32>} : memref<1024x64xf32, #tpu.memory_space<vmem>>, vector<1x16xf32>,
        %mul3A_586 = arith.constant 16 : i32
        %mul3A_587 = arith.muli %scan3A_207, %mul3A_586 : i32
        %add3A_588 = arith.constant 8 : i32
        %add3A_589 = arith.addi %mul3A_587, %add3A_588 : i32
        %slice3A_590 = vector.extract_strided_slice %get3A_212 {offsets = [8], sizes = [1], strides = [1]} : vector<16xf32> to vector<1xf32>
        %squeeze3A_591 = vector.extract %slice3A_590[0] : f32 from vector<1xf32>
        %broadcast_in_dim3A_592 = vector.broadcast %squeeze3A_591 : f32 to vector<16xf32>
        %get3A_593 = arith.index_cast %add3A_589 : i32 to index
        %get3A_594 = arith.constant 0 : index
        %get3A_595 = tpu.vector_load %arg10[%get3A_593, %get3A_594] {strides = array<i32>} : memref<1024x64xf32, #tpu.memory_space<vmem>>, vector<1x16xf32>,
        %get3A_596 = vector.shape_cast %get3A_595 : vector<1x16xf32> to vector<16xf32>
        %mul3A_597 = arith.mulf %get3A_596, %broadcast_in_dim3A_592 : vector<16xf32>
        %swap3A_598 = arith.index_cast %add3A_589 : i32 to index
        %swap3A_599 = arith.constant 0 : index
        %swap3A_600 = tpu.vector_load %arg10[%swap3A_598, %swap3A_599] {strides = array<i32>} : memref<1024x64xf32, #tpu.memory_space<vmem>>, vector<1x16xf32>,
        %swap3A_601 = vector.shape_cast %swap3A_600 : vector<1x16xf32> to vector<16xf32>
        %swap3A_602 = vector.shape_cast %mul3A_597 : vector<16xf32> to vector<1x16xf32>
        tpu.vector_store %arg10[%swap3A_598, %swap3A_599], %swap3A_602 {strides = array<i32>} : memref<1024x64xf32, #tpu.memory_space<vmem>>, vector<1x16xf32>,
        %get3A_603 = arith.index_cast %add3A_589 : i32 to index
        %get3A_604 = arith.constant 16 : index
        %get3A_605 = tpu.vector_load %arg10[%get3A_603, %get3A_604] {strides = array<i32>} : memref<1024x64xf32, #tpu.memory_space<vmem>>, vector<1x16xf32>,
        %get3A_606 = vector.shape_cast %get3A_605 : vector<1x16xf32> to vector<16xf32>
        %mul3A_607 = arith.mulf %get3A_606, %broadcast_in_dim3A_592 : vector<16xf32>
        %swap3A_608 = arith.index_cast %add3A_589 : i32 to index
        %swap3A_609 = arith.constant 16 : index
        %swap3A_610 = tpu.vector_load %arg10[%swap3A_608, %swap3A_609] {strides = array<i32>} : memref<1024x64xf32, #tpu.memory_space<vmem>>, vector<1x16xf32>,
        %swap3A_611 = vector.shape_cast %swap3A_610 : vector<1x16xf32> to vector<16xf32>
        %swap3A_612 = vector.shape_cast %mul3A_607 : vector<16xf32> to vector<1x16xf32>
        tpu.vector_store %arg10[%swap3A_608, %swap3A_609], %swap3A_612 {strides = array<i32>} : memref<1024x64xf32, #tpu.memory_space<vmem>>, vector<1x16xf32>,
        %get3A_613 = arith.index_cast %add3A_589 : i32 to index
        %get3A_614 = arith.constant 32 : index
        %get3A_615 = tpu.vector_load %arg10[%get3A_613, %get3A_614] {strides = array<i32>} : memref<1024x64xf32, #tpu.memory_space<vmem>>, vector<1x16xf32>,
        %get3A_616 = vector.shape_cast %get3A_615 : vector<1x16xf32> to vector<16xf32>
        %mul3A_617 = arith.mulf %get3A_616, %broadcast_in_dim3A_592 : vector<16xf32>
        %swap3A_618 = arith.index_cast %add3A_589 : i32 to index
        %swap3A_619 = arith.constant 32 : index
        %swap3A_620 = tpu.vector_load %arg10[%swap3A_618, %swap3A_619] {strides = array<i32>} : memref<1024x64xf32, #tpu.memory_space<vmem>>, vector<1x16xf32>,
        %swap3A_621 = vector.shape_cast %swap3A_620 : vector<1x16xf32> to vector<16xf32>
        %swap3A_622 = vector.shape_cast %mul3A_617 : vector<16xf32> to vector<1x16xf32>
        tpu.vector_store %arg10[%swap3A_618, %swap3A_619], %swap3A_622 {strides = array<i32>} : memref<1024x64xf32, #tpu.memory_space<vmem>>, vector<1x16xf32>,
        %get3A_623 = arith.index_cast %add3A_589 : i32 to index
        %get3A_624 = arith.constant 48 : index
        %get3A_625 = tpu.vector_load %arg10[%get3A_623, %get3A_624] {strides = array<i32>} : memref<1024x64xf32, #tpu.memory_space<vmem>>, vector<1x16xf32>,
        %get3A_626 = vector.shape_cast %get3A_625 : vector<1x16xf32> to vector<16xf32>
        %mul3A_627 = arith.mulf %get3A_626, %broadcast_in_dim3A_592 : vector<16xf32>
        %swap3A_628 = arith.index_cast %add3A_589 : i32 to index
        %swap3A_629 = arith.constant 48 : index
        %swap3A_630 = tpu.vector_load %arg10[%swap3A_628, %swap3A_629] {strides = array<i32>} : memref<1024x64xf32, #tpu.memory_space<vmem>>, vector<1x16xf32>,
        %swap3A_631 = vector.shape_cast %swap3A_630 : vector<1x16xf32> to vector<16xf32>
        %swap3A_632 = vector.shape_cast %mul3A_627 : vector<16xf32> to vector<1x16xf32>
        tpu.vector_store %arg10[%swap3A_628, %swap3A_629], %swap3A_632 {strides = array<i32>} : memref<1024x64xf32, #tpu.memory_space<vmem>>, vector<1x16xf32>,
        %mul3A_633 = arith.constant 16 : i32
        %mul3A_634 = arith.muli %scan3A_207, %mul3A_633 : i32
        %add3A_635 = arith.constant 9 : i32
        %add3A_636 = arith.addi %mul3A_634, %add3A_635 : i32
        %slice3A_637 = vector.extract_strided_slice %get3A_212 {offsets = [9], sizes = [1], strides = [1]} : vector<16xf32> to vector<1xf32>
        %squeeze3A_638 = vector.extract %slice3A_637[0] : f32 from vector<1xf32>
        %broadcast_in_dim3A_639 = vector.broadcast %squeeze3A_638 : f32 to vector<16xf32>
        %get3A_640 = arith.index_cast %add3A_636 : i32 to index
        %get3A_641 = arith.constant 0 : index
        %get3A_642 = tpu.vector_load %arg10[%get3A_640, %get3A_641] {strides = array<i32>} : memref<1024x64xf32, #tpu.memory_space<vmem>>, vector<1x16xf32>,
        %get3A_643 = vector.shape_cast %get3A_642 : vector<1x16xf32> to vector<16xf32>
        %mul3A_644 = arith.mulf %get3A_643, %broadcast_in_dim3A_639 : vector<16xf32>
        %swap3A_645 = arith.index_cast %add3A_636 : i32 to index
        %swap3A_646 = arith.constant 0 : index
        %swap3A_647 = tpu.vector_load %arg10[%swap3A_645, %swap3A_646] {strides = array<i32>} : memref<1024x64xf32, #tpu.memory_space<vmem>>, vector<1x16xf32>,
        %swap3A_648 = vector.shape_cast %swap3A_647 : vector<1x16xf32> to vector<16xf32>
        %swap3A_649 = vector.shape_cast %mul3A_644 : vector<16xf32> to vector<1x16xf32>
        tpu.vector_store %arg10[%swap3A_645, %swap3A_646], %swap3A_649 {strides = array<i32>} : memref<1024x64xf32, #tpu.memory_space<vmem>>, vector<1x16xf32>,
        %get3A_650 = arith.index_cast %add3A_636 : i32 to index
        %get3A_651 = arith.constant 16 : index
        %get3A_652 = tpu.vector_load %arg10[%get3A_650, %get3A_651] {strides = array<i32>} : memref<1024x64xf32, #tpu.memory_space<vmem>>, vector<1x16xf32>,
        %get3A_653 = vector.shape_cast %get3A_652 : vector<1x16xf32> to vector<16xf32>
        %mul3A_654 = arith.mulf %get3A_653, %broadcast_in_dim3A_639 : vector<16xf32>
        %swap3A_655 = arith.index_cast %add3A_636 : i32 to index
        %swap3A_656 = arith.constant 16 : index
        %swap3A_657 = tpu.vector_load %arg10[%swap3A_655, %swap3A_656] {strides = array<i32>} : memref<1024x64xf32, #tpu.memory_space<vmem>>, vector<1x16xf32>,
        %swap3A_658 = vector.shape_cast %swap3A_657 : vector<1x16xf32> to vector<16xf32>
        %swap3A_659 = vector.shape_cast %mul3A_654 : vector<16xf32> to vector<1x16xf32>
        tpu.vector_store %arg10[%swap3A_655, %swap3A_656], %swap3A_659 {strides = array<i32>} : memref<1024x64xf32, #tpu.memory_space<vmem>>, vector<1x16xf32>,
        %get3A_660 = arith.index_cast %add3A_636 : i32 to index
        %get3A_661 = arith.constant 32 : index
        %get3A_662 = tpu.vector_load %arg10[%get3A_660, %get3A_661] {strides = array<i32>} : memref<1024x64xf32, #tpu.memory_space<vmem>>, vector<1x16xf32>,
        %get3A_663 = vector.shape_cast %get3A_662 : vector<1x16xf32> to vector<16xf32>
        %mul3A_664 = arith.mulf %get3A_663, %broadcast_in_dim3A_639 : vector<16xf32>
        %swap3A_665 = arith.index_cast %add3A_636 : i32 to index
        %swap3A_666 = arith.constant 32 : index
        %swap3A_667 = tpu.vector_load %arg10[%swap3A_665, %swap3A_666] {strides = array<i32>} : memref<1024x64xf32, #tpu.memory_space<vmem>>, vector<1x16xf32>,
        %swap3A_668 = vector.shape_cast %swap3A_667 : vector<1x16xf32> to vector<16xf32>
        %swap3A_669 = vector.shape_cast %mul3A_664 : vector<16xf32> to vector<1x16xf32>
        tpu.vector_store %arg10[%swap3A_665, %swap3A_666], %swap3A_669 {strides = array<i32>} : memref<1024x64xf32, #tpu.memory_space<vmem>>, vector<1x16xf32>,
        %get3A_670 = arith.index_cast %add3A_636 : i32 to index
        %get3A_671 = arith.constant 48 : index
        %get3A_672 = tpu.vector_load %arg10[%get3A_670, %get3A_671] {strides = array<i32>} : memref<1024x64xf32, #tpu.memory_space<vmem>>, vector<1x16xf32>,
        %get3A_673 = vector.shape_cast %get3A_672 : vector<1x16xf32> to vector<16xf32>
        %mul3A_674 = arith.mulf %get3A_673, %broadcast_in_dim3A_639 : vector<16xf32>
        %swap3A_675 = arith.index_cast %add3A_636 : i32 to index
        %swap3A_676 = arith.constant 48 : index
        %swap3A_677 = tpu.vector_load %arg10[%swap3A_675, %swap3A_676] {strides = array<i32>} : memref<1024x64xf32, #tpu.memory_space<vmem>>, vector<1x16xf32>,
        %swap3A_678 = vector.shape_cast %swap3A_677 : vector<1x16xf32> to vector<16xf32>
        %swap3A_679 = vector.shape_cast %mul3A_674 : vector<16xf32> to vector<1x16xf32>
        tpu.vector_store %arg10[%swap3A_675, %swap3A_676], %swap3A_679 {strides = array<i32>} : memref<1024x64xf32, #tpu.memory_space<vmem>>, vector<1x16xf32>,
        %mul3A_680 = arith.constant 16 : i32
        %mul3A_681 = arith.muli %scan3A_207, %mul3A_680 : i32
        %add3A_682 = arith.constant 10 : i32
        %add3A_683 = arith.addi %mul3A_681, %add3A_682 : i32
        %slice3A_684 = vector.extract_strided_slice %get3A_212 {offsets = [10], sizes = [1], strides = [1]} : vector<16xf32> to vector<1xf32>
        %squeeze3A_685 = vector.extract %slice3A_684[0] : f32 from vector<1xf32>
        %broadcast_in_dim3A_686 = vector.broadcast %squeeze3A_685 : f32 to vector<16xf32>
        %get3A_687 = arith.index_cast %add3A_683 : i32 to index
        %get3A_688 = arith.constant 0 : index
        %get3A_689 = tpu.vector_load %arg10[%get3A_687, %get3A_688] {strides = array<i32>} : memref<1024x64xf32, #tpu.memory_space<vmem>>, vector<1x16xf32>,
        %get3A_690 = vector.shape_cast %get3A_689 : vector<1x16xf32> to vector<16xf32>
        %mul3A_691 = arith.mulf %get3A_690, %broadcast_in_dim3A_686 : vector<16xf32>
        %swap3A_692 = arith.index_cast %add3A_683 : i32 to index
        %swap3A_693 = arith.constant 0 : index
        %swap3A_694 = tpu.vector_load %arg10[%swap3A_692, %swap3A_693] {strides = array<i32>} : memref<1024x64xf32, #tpu.memory_space<vmem>>, vector<1x16xf32>,
        %swap3A_695 = vector.shape_cast %swap3A_694 : vector<1x16xf32> to vector<16xf32>
        %swap3A_696 = vector.shape_cast %mul3A_691 : vector<16xf32> to vector<1x16xf32>
        tpu.vector_store %arg10[%swap3A_692, %swap3A_693], %swap3A_696 {strides = array<i32>} : memref<1024x64xf32, #tpu.memory_space<vmem>>, vector<1x16xf32>,
        %get3A_697 = arith.index_cast %add3A_683 : i32 to index
        %get3A_698 = arith.constant 16 : index
        %get3A_699 = tpu.vector_load %arg10[%get3A_697, %get3A_698] {strides = array<i32>} : memref<1024x64xf32, #tpu.memory_space<vmem>>, vector<1x16xf32>,
        %get3A_700 = vector.shape_cast %get3A_699 : vector<1x16xf32> to vector<16xf32>
        %mul3A_701 = arith.mulf %get3A_700, %broadcast_in_dim3A_686 : vector<16xf32>
        %swap3A_702 = arith.index_cast %add3A_683 : i32 to index
        %swap3A_703 = arith.constant 16 : index
        %swap3A_704 = tpu.vector_load %arg10[%swap3A_702, %swap3A_703] {strides = array<i32>} : memref<1024x64xf32, #tpu.memory_space<vmem>>, vector<1x16xf32>,
        %swap3A_705 = vector.shape_cast %swap3A_704 : vector<1x16xf32> to vector<16xf32>
        %swap3A_706 = vector.shape_cast %mul3A_701 : vector<16xf32> to vector<1x16xf32>
        tpu.vector_store %arg10[%swap3A_702, %swap3A_703], %swap3A_706 {strides = array<i32>} : memref<1024x64xf32, #tpu.memory_space<vmem>>, vector<1x16xf32>,
        %get3A_707 = arith.index_cast %add3A_683 : i32 to index
        %get3A_708 = arith.constant 32 : index
        %get3A_709 = tpu.vector_load %arg10[%get3A_707, %get3A_708] {strides = array<i32>} : memref<1024x64xf32, #tpu.memory_space<vmem>>, vector<1x16xf32>,
        %get3A_710 = vector.shape_cast %get3A_709 : vector<1x16xf32> to vector<16xf32>
        %mul3A_711 = arith.mulf %get3A_710, %broadcast_in_dim3A_686 : vector<16xf32>
        %swap3A_712 = arith.index_cast %add3A_683 : i32 to index
        %swap3A_713 = arith.constant 32 : index
        %swap3A_714 = tpu.vector_load %arg10[%swap3A_712, %swap3A_713] {strides = array<i32>} : memref<1024x64xf32, #tpu.memory_space<vmem>>, vector<1x16xf32>,
        %swap3A_715 = vector.shape_cast %swap3A_714 : vector<1x16xf32> to vector<16xf32>
        %swap3A_716 = vector.shape_cast %mul3A_711 : vector<16xf32> to vector<1x16xf32>
        tpu.vector_store %arg10[%swap3A_712, %swap3A_713], %swap3A_716 {strides = array<i32>} : memref<1024x64xf32, #tpu.memory_space<vmem>>, vector<1x16xf32>,
        %get3A_717 = arith.index_cast %add3A_683 : i32 to index
        %get3A_718 = arith.constant 48 : index
        %get3A_719 = tpu.vector_load %arg10[%get3A_717, %get3A_718] {strides = array<i32>} : memref<1024x64xf32, #tpu.memory_space<vmem>>, vector<1x16xf32>,
        %get3A_720 = vector.shape_cast %get3A_719 : vector<1x16xf32> to vector<16xf32>
        %mul3A_721 = arith.mulf %get3A_720, %broadcast_in_dim3A_686 : vector<16xf32>
        %swap3A_722 = arith.index_cast %add3A_683 : i32 to index
        %swap3A_723 = arith.constant 48 : index
        %swap3A_724 = tpu.vector_load %arg10[%swap3A_722, %swap3A_723] {strides = array<i32>} : memref<1024x64xf32, #tpu.memory_space<vmem>>, vector<1x16xf32>,
        %swap3A_725 = vector.shape_cast %swap3A_724 : vector<1x16xf32> to vector<16xf32>
        %swap3A_726 = vector.shape_cast %mul3A_721 : vector<16xf32> to vector<1x16xf32>
        tpu.vector_store %arg10[%swap3A_722, %swap3A_723], %swap3A_726 {strides = array<i32>} : memref<1024x64xf32, #tpu.memory_space<vmem>>, vector<1x16xf32>,
        %mul3A_727 = arith.constant 16 : i32
        %mul3A_728 = arith.muli %scan3A_207, %mul3A_727 : i32
        %add3A_729 = arith.constant 11 : i32
        %add3A_730 = arith.addi %mul3A_728, %add3A_729 : i32
        %slice3A_731 = vector.extract_strided_slice %get3A_212 {offsets = [11], sizes = [1], strides = [1]} : vector<16xf32> to vector<1xf32>
        %squeeze3A_732 = vector.extract %slice3A_731[0] : f32 from vector<1xf32>
        %broadcast_in_dim3A_733 = vector.broadcast %squeeze3A_732 : f32 to vector<16xf32>
        %get3A_734 = arith.index_cast %add3A_730 : i32 to index
        %get3A_735 = arith.constant 0 : index
        %get3A_736 = tpu.vector_load %arg10[%get3A_734, %get3A_735] {strides = array<i32>} : memref<1024x64xf32, #tpu.memory_space<vmem>>, vector<1x16xf32>,
        %get3A_737 = vector.shape_cast %get3A_736 : vector<1x16xf32> to vector<16xf32>
        %mul3A_738 = arith.mulf %get3A_737, %broadcast_in_dim3A_733 : vector<16xf32>
        %swap3A_739 = arith.index_cast %add3A_730 : i32 to index
        %swap3A_740 = arith.constant 0 : index
        %swap3A_741 = tpu.vector_load %arg10[%swap3A_739, %swap3A_740] {strides = array<i32>} : memref<1024x64xf32, #tpu.memory_space<vmem>>, vector<1x16xf32>,
        %swap3A_742 = vector.shape_cast %swap3A_741 : vector<1x16xf32> to vector<16xf32>
        %swap3A_743 = vector.shape_cast %mul3A_738 : vector<16xf32> to vector<1x16xf32>
        tpu.vector_store %arg10[%swap3A_739, %swap3A_740], %swap3A_743 {strides = array<i32>} : memref<1024x64xf32, #tpu.memory_space<vmem>>, vector<1x16xf32>,
        %get3A_744 = arith.index_cast %add3A_730 : i32 to index
        %get3A_745 = arith.constant 16 : index
        %get3A_746 = tpu.vector_load %arg10[%get3A_744, %get3A_745] {strides = array<i32>} : memref<1024x64xf32, #tpu.memory_space<vmem>>, vector<1x16xf32>,
        %get3A_747 = vector.shape_cast %get3A_746 : vector<1x16xf32> to vector<16xf32>
        %mul3A_748 = arith.mulf %get3A_747, %broadcast_in_dim3A_733 : vector<16xf32>
        %swap3A_749 = arith.index_cast %add3A_730 : i32 to index
        %swap3A_750 = arith.constant 16 : index
        %swap3A_751 = tpu.vector_load %arg10[%swap3A_749, %swap3A_750] {strides = array<i32>} : memref<1024x64xf32, #tpu.memory_space<vmem>>, vector<1x16xf32>,
        %swap3A_752 = vector.shape_cast %swap3A_751 : vector<1x16xf32> to vector<16xf32>
        %swap3A_753 = vector.shape_cast %mul3A_748 : vector<16xf32> to vector<1x16xf32>
        tpu.vector_store %arg10[%swap3A_749, %swap3A_750], %swap3A_753 {strides = array<i32>} : memref<1024x64xf32, #tpu.memory_space<vmem>>, vector<1x16xf32>,
        %get3A_754 = arith.index_cast %add3A_730 : i32 to index
        %get3A_755 = arith.constant 32 : index
        %get3A_756 = tpu.vector_load %arg10[%get3A_754, %get3A_755] {strides = array<i32>} : memref<1024x64xf32, #tpu.memory_space<vmem>>, vector<1x16xf32>,
        %get3A_757 = vector.shape_cast %get3A_756 : vector<1x16xf32> to vector<16xf32>
        %mul3A_758 = arith.mulf %get3A_757, %broadcast_in_dim3A_733 : vector<16xf32>
        %swap3A_759 = arith.index_cast %add3A_730 : i32 to index
        %swap3A_760 = arith.constant 32 : index
        %swap3A_761 = tpu.vector_load %arg10[%swap3A_759, %swap3A_760] {strides = array<i32>} : memref<1024x64xf32, #tpu.memory_space<vmem>>, vector<1x16xf32>,
        %swap3A_762 = vector.shape_cast %swap3A_761 : vector<1x16xf32> to vector<16xf32>
        %swap3A_763 = vector.shape_cast %mul3A_758 : vector<16xf32> to vector<1x16xf32>
        tpu.vector_store %arg10[%swap3A_759, %swap3A_760], %swap3A_763 {strides = array<i32>} : memref<1024x64xf32, #tpu.memory_space<vmem>>, vector<1x16xf32>,
        %get3A_764 = arith.index_cast %add3A_730 : i32 to index
        %get3A_765 = arith.constant 48 : index
        %get3A_766 = tpu.vector_load %arg10[%get3A_764, %get3A_765] {strides = array<i32>} : memref<1024x64xf32, #tpu.memory_space<vmem>>, vector<1x16xf32>,
        %get3A_767 = vector.shape_cast %get3A_766 : vector<1x16xf32> to vector<16xf32>
        %mul3A_768 = arith.mulf %get3A_767, %broadcast_in_dim3A_733 : vector<16xf32>
        %swap3A_769 = arith.index_cast %add3A_730 : i32 to index
        %swap3A_770 = arith.constant 48 : index
        %swap3A_771 = tpu.vector_load %arg10[%swap3A_769, %swap3A_770] {strides = array<i32>} : memref<1024x64xf32, #tpu.memory_space<vmem>>, vector<1x16xf32>,
        %swap3A_772 = vector.shape_cast %swap3A_771 : vector<1x16xf32> to vector<16xf32>
        %swap3A_773 = vector.shape_cast %mul3A_768 : vector<16xf32> to vector<1x16xf32>
        tpu.vector_store %arg10[%swap3A_769, %swap3A_770], %swap3A_773 {strides = array<i32>} : memref<1024x64xf32, #tpu.memory_space<vmem>>, vector<1x16xf32>,
        %mul3A_774 = arith.constant 16 : i32
        %mul3A_775 = arith.muli %scan3A_207, %mul3A_774 : i32
        %add3A_776 = arith.constant 12 : i32
        %add3A_777 = arith.addi %mul3A_775, %add3A_776 : i32
        %slice3A_778 = vector.extract_strided_slice %get3A_212 {offsets = [12], sizes = [1], strides = [1]} : vector<16xf32> to vector<1xf32>
        %squeeze3A_779 = vector.extract %slice3A_778[0] : f32 from vector<1xf32>
        %broadcast_in_dim3A_780 = vector.broadcast %squeeze3A_779 : f32 to vector<16xf32>
        %get3A_781 = arith.index_cast %add3A_777 : i32 to index
        %get3A_782 = arith.constant 0 : index
        %get3A_783 = tpu.vector_load %arg10[%get3A_781, %get3A_782] {strides = array<i32>} : memref<1024x64xf32, #tpu.memory_space<vmem>>, vector<1x16xf32>,
        %get3A_784 = vector.shape_cast %get3A_783 : vector<1x16xf32> to vector<16xf32>
        %mul3A_785 = arith.mulf %get3A_784, %broadcast_in_dim3A_780 : vector<16xf32>
        %swap3A_786 = arith.index_cast %add3A_777 : i32 to index
        %swap3A_787 = arith.constant 0 : index
        %swap3A_788 = tpu.vector_load %arg10[%swap3A_786, %swap3A_787] {strides = array<i32>} : memref<1024x64xf32, #tpu.memory_space<vmem>>, vector<1x16xf32>,
        %swap3A_789 = vector.shape_cast %swap3A_788 : vector<1x16xf32> to vector<16xf32>
        %swap3A_790 = vector.shape_cast %mul3A_785 : vector<16xf32> to vector<1x16xf32>
        tpu.vector_store %arg10[%swap3A_786, %swap3A_787], %swap3A_790 {strides = array<i32>} : memref<1024x64xf32, #tpu.memory_space<vmem>>, vector<1x16xf32>,
        %get3A_791 = arith.index_cast %add3A_777 : i32 to index
        %get3A_792 = arith.constant 16 : index
        %get3A_793 = tpu.vector_load %arg10[%get3A_791, %get3A_792] {strides = array<i32>} : memref<1024x64xf32, #tpu.memory_space<vmem>>, vector<1x16xf32>,
        %get3A_794 = vector.shape_cast %get3A_793 : vector<1x16xf32> to vector<16xf32>
        %mul3A_795 = arith.mulf %get3A_794, %broadcast_in_dim3A_780 : vector<16xf32>
        %swap3A_796 = arith.index_cast %add3A_777 : i32 to index
        %swap3A_797 = arith.constant 16 : index
        %swap3A_798 = tpu.vector_load %arg10[%swap3A_796, %swap3A_797] {strides = array<i32>} : memref<1024x64xf32, #tpu.memory_space<vmem>>, vector<1x16xf32>,
        %swap3A_799 = vector.shape_cast %swap3A_798 : vector<1x16xf32> to vector<16xf32>
        %swap3A_800 = vector.shape_cast %mul3A_795 : vector<16xf32> to vector<1x16xf32>
        tpu.vector_store %arg10[%swap3A_796, %swap3A_797], %swap3A_800 {strides = array<i32>} : memref<1024x64xf32, #tpu.memory_space<vmem>>, vector<1x16xf32>,
        %get3A_801 = arith.index_cast %add3A_777 : i32 to index
        %get3A_802 = arith.constant 32 : index
        %get3A_803 = tpu.vector_load %arg10[%get3A_801, %get3A_802] {strides = array<i32>} : memref<1024x64xf32, #tpu.memory_space<vmem>>, vector<1x16xf32>,
        %get3A_804 = vector.shape_cast %get3A_803 : vector<1x16xf32> to vector<16xf32>
        %mul3A_805 = arith.mulf %get3A_804, %broadcast_in_dim3A_780 : vector<16xf32>
        %swap3A_806 = arith.index_cast %add3A_777 : i32 to index
        %swap3A_807 = arith.constant 32 : index
        %swap3A_808 = tpu.vector_load %arg10[%swap3A_806, %swap3A_807] {strides = array<i32>} : memref<1024x64xf32, #tpu.memory_space<vmem>>, vector<1x16xf32>,
        %swap3A_809 = vector.shape_cast %swap3A_808 : vector<1x16xf32> to vector<16xf32>
        %swap3A_810 = vector.shape_cast %mul3A_805 : vector<16xf32> to vector<1x16xf32>
        tpu.vector_store %arg10[%swap3A_806, %swap3A_807], %swap3A_810 {strides = array<i32>} : memref<1024x64xf32, #tpu.memory_space<vmem>>, vector<1x16xf32>,
        %get3A_811 = arith.index_cast %add3A_777 : i32 to index
        %get3A_812 = arith.constant 48 : index
        %get3A_813 = tpu.vector_load %arg10[%get3A_811, %get3A_812] {strides = array<i32>} : memref<1024x64xf32, #tpu.memory_space<vmem>>, vector<1x16xf32>,
        %get3A_814 = vector.shape_cast %get3A_813 : vector<1x16xf32> to vector<16xf32>
        %mul3A_815 = arith.mulf %get3A_814, %broadcast_in_dim3A_780 : vector<16xf32>
        %swap3A_816 = arith.index_cast %add3A_777 : i32 to index
        %swap3A_817 = arith.constant 48 : index
        %swap3A_818 = tpu.vector_load %arg10[%swap3A_816, %swap3A_817] {strides = array<i32>} : memref<1024x64xf32, #tpu.memory_space<vmem>>, vector<1x16xf32>,
        %swap3A_819 = vector.shape_cast %swap3A_818 : vector<1x16xf32> to vector<16xf32>
        %swap3A_820 = vector.shape_cast %mul3A_815 : vector<16xf32> to vector<1x16xf32>
        tpu.vector_store %arg10[%swap3A_816, %swap3A_817], %swap3A_820 {strides = array<i32>} : memref<1024x64xf32, #tpu.memory_space<vmem>>, vector<1x16xf32>,
        %mul3A_821 = arith.constant 16 : i32
        %mul3A_822 = arith.muli %scan3A_207, %mul3A_821 : i32
        %add3A_823 = arith.constant 13 : i32
        %add3A_824 = arith.addi %mul3A_822, %add3A_823 : i32
        %slice3A_825 = vector.extract_strided_slice %get3A_212 {offsets = [13], sizes = [1], strides = [1]} : vector<16xf32> to vector<1xf32>
        %squeeze3A_826 = vector.extract %slice3A_825[0] : f32 from vector<1xf32>
        %broadcast_in_dim3A_827 = vector.broadcast %squeeze3A_826 : f32 to vector<16xf32>
        %get3A_828 = arith.index_cast %add3A_824 : i32 to index
        %get3A_829 = arith.constant 0 : index
        %get3A_830 = tpu.vector_load %arg10[%get3A_828, %get3A_829] {strides = array<i32>} : memref<1024x64xf32, #tpu.memory_space<vmem>>, vector<1x16xf32>,
        %get3A_831 = vector.shape_cast %get3A_830 : vector<1x16xf32> to vector<16xf32>
        %mul3A_832 = arith.mulf %get3A_831, %broadcast_in_dim3A_827 : vector<16xf32>
        %swap3A_833 = arith.index_cast %add3A_824 : i32 to index
        %swap3A_834 = arith.constant 0 : index
        %swap3A_835 = tpu.vector_load %arg10[%swap3A_833, %swap3A_834] {strides = array<i32>} : memref<1024x64xf32, #tpu.memory_space<vmem>>, vector<1x16xf32>,
        %swap3A_836 = vector.shape_cast %swap3A_835 : vector<1x16xf32> to vector<16xf32>
        %swap3A_837 = vector.shape_cast %mul3A_832 : vector<16xf32> to vector<1x16xf32>
        tpu.vector_store %arg10[%swap3A_833, %swap3A_834], %swap3A_837 {strides = array<i32>} : memref<1024x64xf32, #tpu.memory_space<vmem>>, vector<1x16xf32>,
        %get3A_838 = arith.index_cast %add3A_824 : i32 to index
        %get3A_839 = arith.constant 16 : index
        %get3A_840 = tpu.vector_load %arg10[%get3A_838, %get3A_839] {strides = array<i32>} : memref<1024x64xf32, #tpu.memory_space<vmem>>, vector<1x16xf32>,
        %get3A_841 = vector.shape_cast %get3A_840 : vector<1x16xf32> to vector<16xf32>
        %mul3A_842 = arith.mulf %get3A_841, %broadcast_in_dim3A_827 : vector<16xf32>
        %swap3A_843 = arith.index_cast %add3A_824 : i32 to index
        %swap3A_844 = arith.constant 16 : index
        %swap3A_845 = tpu.vector_load %arg10[%swap3A_843, %swap3A_844] {strides = array<i32>} : memref<1024x64xf32, #tpu.memory_space<vmem>>, vector<1x16xf32>,
        %swap3A_846 = vector.shape_cast %swap3A_845 : vector<1x16xf32> to vector<16xf32>
        %swap3A_847 = vector.shape_cast %mul3A_842 : vector<16xf32> to vector<1x16xf32>
        tpu.vector_store %arg10[%swap3A_843, %swap3A_844], %swap3A_847 {strides = array<i32>} : memref<1024x64xf32, #tpu.memory_space<vmem>>, vector<1x16xf32>,
        %get3A_848 = arith.index_cast %add3A_824 : i32 to index
        %get3A_849 = arith.constant 32 : index
        %get3A_850 = tpu.vector_load %arg10[%get3A_848, %get3A_849] {strides = array<i32>} : memref<1024x64xf32, #tpu.memory_space<vmem>>, vector<1x16xf32>,
        %get3A_851 = vector.shape_cast %get3A_850 : vector<1x16xf32> to vector<16xf32>
        %mul3A_852 = arith.mulf %get3A_851, %broadcast_in_dim3A_827 : vector<16xf32>
        %swap3A_853 = arith.index_cast %add3A_824 : i32 to index
        %swap3A_854 = arith.constant 32 : index
        %swap3A_855 = tpu.vector_load %arg10[%swap3A_853, %swap3A_854] {strides = array<i32>} : memref<1024x64xf32, #tpu.memory_space<vmem>>, vector<1x16xf32>,
        %swap3A_856 = vector.shape_cast %swap3A_855 : vector<1x16xf32> to vector<16xf32>
        %swap3A_857 = vector.shape_cast %mul3A_852 : vector<16xf32> to vector<1x16xf32>
        tpu.vector_store %arg10[%swap3A_853, %swap3A_854], %swap3A_857 {strides = array<i32>} : memref<1024x64xf32, #tpu.memory_space<vmem>>, vector<1x16xf32>,
        %get3A_858 = arith.index_cast %add3A_824 : i32 to index
        %get3A_859 = arith.constant 48 : index
        %get3A_860 = tpu.vector_load %arg10[%get3A_858, %get3A_859] {strides = array<i32>} : memref<1024x64xf32, #tpu.memory_space<vmem>>, vector<1x16xf32>,
        %get3A_861 = vector.shape_cast %get3A_860 : vector<1x16xf32> to vector<16xf32>
        %mul3A_862 = arith.mulf %get3A_861, %broadcast_in_dim3A_827 : vector<16xf32>
        %swap3A_863 = arith.index_cast %add3A_824 : i32 to index
        %swap3A_864 = arith.constant 48 : index
        %swap3A_865 = tpu.vector_load %arg10[%swap3A_863, %swap3A_864] {strides = array<i32>} : memref<1024x64xf32, #tpu.memory_space<vmem>>, vector<1x16xf32>,
        %swap3A_866 = vector.shape_cast %swap3A_865 : vector<1x16xf32> to vector<16xf32>
        %swap3A_867 = vector.shape_cast %mul3A_862 : vector<16xf32> to vector<1x16xf32>
        tpu.vector_store %arg10[%swap3A_863, %swap3A_864], %swap3A_867 {strides = array<i32>} : memref<1024x64xf32, #tpu.memory_space<vmem>>, vector<1x16xf32>,
        %mul3A_868 = arith.constant 16 : i32
        %mul3A_869 = arith.muli %scan3A_207, %mul3A_868 : i32
        %add3A_870 = arith.constant 14 : i32
        %add3A_871 = arith.addi %mul3A_869, %add3A_870 : i32
        %slice3A_872 = vector.extract_strided_slice %get3A_212 {offsets = [14], sizes = [1], strides = [1]} : vector<16xf32> to vector<1xf32>
        %squeeze3A_873 = vector.extract %slice3A_872[0] : f32 from vector<1xf32>
        %broadcast_in_dim3A_874 = vector.broadcast %squeeze3A_873 : f32 to vector<16xf32>
        %get3A_875 = arith.index_cast %add3A_871 : i32 to index
        %get3A_876 = arith.constant 0 : index
        %get3A_877 = tpu.vector_load %arg10[%get3A_875, %get3A_876] {strides = array<i32>} : memref<1024x64xf32, #tpu.memory_space<vmem>>, vector<1x16xf32>,
        %get3A_878 = vector.shape_cast %get3A_877 : vector<1x16xf32> to vector<16xf32>
        %mul3A_879 = arith.mulf %get3A_878, %broadcast_in_dim3A_874 : vector<16xf32>
        %swap3A_880 = arith.index_cast %add3A_871 : i32 to index
        %swap3A_881 = arith.constant 0 : index
        %swap3A_882 = tpu.vector_load %arg10[%swap3A_880, %swap3A_881] {strides = array<i32>} : memref<1024x64xf32, #tpu.memory_space<vmem>>, vector<1x16xf32>,
        %swap3A_883 = vector.shape_cast %swap3A_882 : vector<1x16xf32> to vector<16xf32>
        %swap3A_884 = vector.shape_cast %mul3A_879 : vector<16xf32> to vector<1x16xf32>
        tpu.vector_store %arg10[%swap3A_880, %swap3A_881], %swap3A_884 {strides = array<i32>} : memref<1024x64xf32, #tpu.memory_space<vmem>>, vector<1x16xf32>,
        %get3A_885 = arith.index_cast %add3A_871 : i32 to index
        %get3A_886 = arith.constant 16 : index
        %get3A_887 = tpu.vector_load %arg10[%get3A_885, %get3A_886] {strides = array<i32>} : memref<1024x64xf32, #tpu.memory_space<vmem>>, vector<1x16xf32>,
        %get3A_888 = vector.shape_cast %get3A_887 : vector<1x16xf32> to vector<16xf32>
        %mul3A_889 = arith.mulf %get3A_888, %broadcast_in_dim3A_874 : vector<16xf32>
        %swap3A_890 = arith.index_cast %add3A_871 : i32 to index
        %swap3A_891 = arith.constant 16 : index
        %swap3A_892 = tpu.vector_load %arg10[%swap3A_890, %swap3A_891] {strides = array<i32>} : memref<1024x64xf32, #tpu.memory_space<vmem>>, vector<1x16xf32>,
        %swap3A_893 = vector.shape_cast %swap3A_892 : vector<1x16xf32> to vector<16xf32>
        %swap3A_894 = vector.shape_cast %mul3A_889 : vector<16xf32> to vector<1x16xf32>
        tpu.vector_store %arg10[%swap3A_890, %swap3A_891], %swap3A_894 {strides = array<i32>} : memref<1024x64xf32, #tpu.memory_space<vmem>>, vector<1x16xf32>,
        %get3A_895 = arith.index_cast %add3A_871 : i32 to index
        %get3A_896 = arith.constant 32 : index
        %get3A_897 = tpu.vector_load %arg10[%get3A_895, %get3A_896] {strides = array<i32>} : memref<1024x64xf32, #tpu.memory_space<vmem>>, vector<1x16xf32>,
        %get3A_898 = vector.shape_cast %get3A_897 : vector<1x16xf32> to vector<16xf32>
        %mul3A_899 = arith.mulf %get3A_898, %broadcast_in_dim3A_874 : vector<16xf32>
        %swap3A_900 = arith.index_cast %add3A_871 : i32 to index
        %swap3A_901 = arith.constant 32 : index
        %swap3A_902 = tpu.vector_load %arg10[%swap3A_900, %swap3A_901] {strides = array<i32>} : memref<1024x64xf32, #tpu.memory_space<vmem>>, vector<1x16xf32>,
        %swap3A_903 = vector.shape_cast %swap3A_902 : vector<1x16xf32> to vector<16xf32>
        %swap3A_904 = vector.shape_cast %mul3A_899 : vector<16xf32> to vector<1x16xf32>
        tpu.vector_store %arg10[%swap3A_900, %swap3A_901], %swap3A_904 {strides = array<i32>} : memref<1024x64xf32, #tpu.memory_space<vmem>>, vector<1x16xf32>,
        %get3A_905 = arith.index_cast %add3A_871 : i32 to index
        %get3A_906 = arith.constant 48 : index
        %get3A_907 = tpu.vector_load %arg10[%get3A_905, %get3A_906] {strides = array<i32>} : memref<1024x64xf32, #tpu.memory_space<vmem>>, vector<1x16xf32>,
        %get3A_908 = vector.shape_cast %get3A_907 : vector<1x16xf32> to vector<16xf32>
        %mul3A_909 = arith.mulf %get3A_908, %broadcast_in_dim3A_874 : vector<16xf32>
        %swap3A_910 = arith.index_cast %add3A_871 : i32 to index
        %swap3A_911 = arith.constant 48 : index
        %swap3A_912 = tpu.vector_load %arg10[%swap3A_910, %swap3A_911] {strides = array<i32>} : memref<1024x64xf32, #tpu.memory_space<vmem>>, vector<1x16xf32>,
        %swap3A_913 = vector.shape_cast %swap3A_912 : vector<1x16xf32> to vector<16xf32>
        %swap3A_914 = vector.shape_cast %mul3A_909 : vector<16xf32> to vector<1x16xf32>
        tpu.vector_store %arg10[%swap3A_910, %swap3A_911], %swap3A_914 {strides = array<i32>} : memref<1024x64xf32, #tpu.memory_space<vmem>>, vector<1x16xf32>,
        %mul3A_915 = arith.constant 16 : i32
        %mul3A_916 = arith.muli %scan3A_207, %mul3A_915 : i32
        %add3A_917 = arith.constant 15 : i32
        %add3A_918 = arith.addi %mul3A_916, %add3A_917 : i32
        %slice3A_919 = vector.extract_strided_slice %get3A_212 {offsets = [15], sizes = [1], strides = [1]} : vector<16xf32> to vector<1xf32>
        %squeeze3A_920 = vector.extract %slice3A_919[0] : f32 from vector<1xf32>
        %broadcast_in_dim3A_921 = vector.broadcast %squeeze3A_920 : f32 to vector<16xf32>
        %get3A_922 = arith.index_cast %add3A_918 : i32 to index
        %get3A_923 = arith.constant 0 : index
        %get3A_924 = tpu.vector_load %arg10[%get3A_922, %get3A_923] {strides = array<i32>} : memref<1024x64xf32, #tpu.memory_space<vmem>>, vector<1x16xf32>,
        %get3A_925 = vector.shape_cast %get3A_924 : vector<1x16xf32> to vector<16xf32>
        %mul3A_926 = arith.mulf %get3A_925, %broadcast_in_dim3A_921 : vector<16xf32>
        %swap3A_927 = arith.index_cast %add3A_918 : i32 to index
        %swap3A_928 = arith.constant 0 : index
        %swap3A_929 = tpu.vector_load %arg10[%swap3A_927, %swap3A_928] {strides = array<i32>} : memref<1024x64xf32, #tpu.memory_space<vmem>>, vector<1x16xf32>,
        %swap3A_930 = vector.shape_cast %swap3A_929 : vector<1x16xf32> to vector<16xf32>
        %swap3A_931 = vector.shape_cast %mul3A_926 : vector<16xf32> to vector<1x16xf32>
        tpu.vector_store %arg10[%swap3A_927, %swap3A_928], %swap3A_931 {strides = array<i32>} : memref<1024x64xf32, #tpu.memory_space<vmem>>, vector<1x16xf32>,
        %get3A_932 = arith.index_cast %add3A_918 : i32 to index
        %get3A_933 = arith.constant 16 : index
        %get3A_934 = tpu.vector_load %arg10[%get3A_932, %get3A_933] {strides = array<i32>} : memref<1024x64xf32, #tpu.memory_space<vmem>>, vector<1x16xf32>,
        %get3A_935 = vector.shape_cast %get3A_934 : vector<1x16xf32> to vector<16xf32>
        %mul3A_936 = arith.mulf %get3A_935, %broadcast_in_dim3A_921 : vector<16xf32>
        %swap3A_937 = arith.index_cast %add3A_918 : i32 to index
        %swap3A_938 = arith.constant 16 : index
        %swap3A_939 = tpu.vector_load %arg10[%swap3A_937, %swap3A_938] {strides = array<i32>} : memref<1024x64xf32, #tpu.memory_space<vmem>>, vector<1x16xf32>,
        %swap3A_940 = vector.shape_cast %swap3A_939 : vector<1x16xf32> to vector<16xf32>
        %swap3A_941 = vector.shape_cast %mul3A_936 : vector<16xf32> to vector<1x16xf32>
        tpu.vector_store %arg10[%swap3A_937, %swap3A_938], %swap3A_941 {strides = array<i32>} : memref<1024x64xf32, #tpu.memory_space<vmem>>, vector<1x16xf32>,
        %get3A_942 = arith.index_cast %add3A_918 : i32 to index
        %get3A_943 = arith.constant 32 : index
        %get3A_944 = tpu.vector_load %arg10[%get3A_942, %get3A_943] {strides = array<i32>} : memref<1024x64xf32, #tpu.memory_space<vmem>>, vector<1x16xf32>,
        %get3A_945 = vector.shape_cast %get3A_944 : vector<1x16xf32> to vector<16xf32>
        %mul3A_946 = arith.mulf %get3A_945, %broadcast_in_dim3A_921 : vector<16xf32>
        %swap3A_947 = arith.index_cast %add3A_918 : i32 to index
        %swap3A_948 = arith.constant 32 : index
        %swap3A_949 = tpu.vector_load %arg10[%swap3A_947, %swap3A_948] {strides = array<i32>} : memref<1024x64xf32, #tpu.memory_space<vmem>>, vector<1x16xf32>,
        %swap3A_950 = vector.shape_cast %swap3A_949 : vector<1x16xf32> to vector<16xf32>
        %swap3A_951 = vector.shape_cast %mul3A_946 : vector<16xf32> to vector<1x16xf32>
        tpu.vector_store %arg10[%swap3A_947, %swap3A_948], %swap3A_951 {strides = array<i32>} : memref<1024x64xf32, #tpu.memory_space<vmem>>, vector<1x16xf32>,
        %get3A_952 = arith.index_cast %add3A_918 : i32 to index
        %get3A_953 = arith.constant 48 : index
        %get3A_954 = tpu.vector_load %arg10[%get3A_952, %get3A_953] {strides = array<i32>} : memref<1024x64xf32, #tpu.memory_space<vmem>>, vector<1x16xf32>,
        %get3A_955 = vector.shape_cast %get3A_954 : vector<1x16xf32> to vector<16xf32>
        %mul3A_956 = arith.mulf %get3A_955, %broadcast_in_dim3A_921 : vector<16xf32>
        %swap3A_957 = arith.index_cast %add3A_918 : i32 to index
        %swap3A_958 = arith.constant 48 : index
        %swap3A_959 = tpu.vector_load %arg10[%swap3A_957, %swap3A_958] {strides = array<i32>} : memref<1024x64xf32, #tpu.memory_space<vmem>>, vector<1x16xf32>,
        %swap3A_960 = vector.shape_cast %swap3A_959 : vector<1x16xf32> to vector<16xf32>
        %swap3A_961 = vector.shape_cast %mul3A_956 : vector<16xf32> to vector<1x16xf32>
        tpu.vector_store %arg10[%swap3A_957, %swap3A_958], %swap3A_961 {strides = array<i32>} : memref<1024x64xf32, #tpu.memory_space<vmem>>, vector<1x16xf32>,
        %scan3A_962 = arith.constant 0 : i32
        scf.yield %scan3A_962 : i32
      }
      %scan3A_198 = arith.constant 64 : i32
      %run_scoped3A = arith.constant 0 : i32
      "tpu.region"() ({
        %run_scoped3A_207 = tpu.sem_alloc : memref<!tpu.dma_semaphore, #tpu.memory_space<semaphore_mem>>
        %dma_start3A_208 = arith.constant 0 : i32
        %dma_start3A_209 = arith.constant 0 : i32
        %dma_start3A_210 = tpu.memref_slice %arg10[%dma_start3A_208, %dma_start3A_209] : memref<1024x64xf32, #tpu.memory_space<vmem>> -> memref<128x64xf32, #tpu.memory_space<vmem>>
        %dma_start3A_211 = arith.constant 0 : i32
        %dma_start3A_212 = tpu.memref_slice %arg7[%run_scoped3A, %dma_start3A_211] : memref<8x128xi32, #tpu.memory_space<vmem>> -> memref<1x128xi32, #tpu.memory_space<vmem>>
        %dma_start3A_213 = tpu.memref_squeeze %dma_start3A_212 : memref<1x128xi32, #tpu.memory_space<vmem>> -> memref<128xi32, #tpu.memory_space<vmem>>
        %dma_start3A_214 = arith.constant 0 : i32
        %dma_start3A_215 = arith.constant 0 : i32
        %dma_start3A_216 = tpu.memref_slice %arg11[%dma_start3A_214, %dma_start3A_215] : memref<10240x64xf32, #tpu.memory_space<vmem_shared>> -> memref<10240x64xf32, #tpu.memory_space<vmem_shared>>
        tpu.enqueue_indirect_dma source(%dma_start3A_210 : memref<128x64xf32, #tpu.memory_space<vmem>>) target(%dma_start3A_216 : memref<10240x64xf32, #tpu.memory_space<vmem_shared>>) offsets(%dma_start3A_213 : memref<128xi32, #tpu.memory_space<vmem>>) semaphore(%run_scoped3A_207 : memref<!tpu.dma_semaphore, #tpu.memory_space<semaphore_mem>>) {add = true}
        %dma_wait3A_217 = arith.constant 0 : i32
        %dma_wait3A_218 = arith.constant 0 : i32
        %dma_wait3A_219 = tpu.memref_slice %arg10[%dma_wait3A_217, %dma_wait3A_218] : memref<1024x64xf32, #tpu.memory_space<vmem>> -> memref<128x64xf32, #tpu.memory_space<vmem>>
        %dma_wait3A_220 = arith.constant 0 : i32
        %dma_wait3A_221 = tpu.memref_slice %arg7[%run_scoped3A, %dma_wait3A_220] : memref<8x128xi32, #tpu.memory_space<vmem>> -> memref<1x128xi32, #tpu.memory_space<vmem>>
        %dma_wait3A_222 = tpu.memref_squeeze %dma_wait3A_221 : memref<1x128xi32, #tpu.memory_space<vmem>> -> memref<128xi32, #tpu.memory_space<vmem>>
        %dma_wait3A_223 = arith.constant 0 : i32
        %dma_wait3A_224 = arith.constant 0 : i32
        %dma_wait3A_225 = tpu.memref_slice %arg11[%dma_wait3A_223, %dma_wait3A_224] : memref<10240x64xf32, #tpu.memory_space<vmem_shared>> -> memref<10240x64xf32, #tpu.memory_space<vmem_shared>>
        tpu.wait_indirect_dma semaphore(%run_scoped3A_207 : memref<!tpu.dma_semaphore, #tpu.memory_space<semaphore_mem>>) src(%dma_wait3A_219 : memref<128x64xf32, #tpu.memory_space<vmem>>) dst(%dma_wait3A_225 : memref<10240x64xf32, #tpu.memory_space<vmem_shared>>)
        tpu.yield
      }) : () -> ()
      %run_scoped3A_199 = arith.constant 1 : i32
      "tpu.region"() ({
        %run_scoped3A_207 = tpu.sem_alloc : memref<!tpu.dma_semaphore, #tpu.memory_space<semaphore_mem>>
        %dma_start3A_208 = arith.constant 128 : i32
        %dma_start3A_209 = arith.constant 0 : i32
        %dma_start3A_210 = tpu.memref_slice %arg10[%dma_start3A_208, %dma_start3A_209] : memref<1024x64xf32, #tpu.memory_space<vmem>> -> memref<128x64xf32, #tpu.memory_space<vmem>>
        %dma_start3A_211 = arith.constant 0 : i32
        %dma_start3A_212 = tpu.memref_slice %arg7[%run_scoped3A_199, %dma_start3A_211] : memref<8x128xi32, #tpu.memory_space<vmem>> -> memref<1x128xi32, #tpu.memory_space<vmem>>
        %dma_start3A_213 = tpu.memref_squeeze %dma_start3A_212 : memref<1x128xi32, #tpu.memory_space<vmem>> -> memref<128xi32, #tpu.memory_space<vmem>>
        %dma_start3A_214 = arith.constant 0 : i32
        %dma_start3A_215 = arith.constant 0 : i32
        %dma_start3A_216 = tpu.memref_slice %arg11[%dma_start3A_214, %dma_start3A_215] : memref<10240x64xf32, #tpu.memory_space<vmem_shared>> -> memref<10240x64xf32, #tpu.memory_space<vmem_shared>>
        tpu.enqueue_indirect_dma source(%dma_start3A_210 : memref<128x64xf32, #tpu.memory_space<vmem>>) target(%dma_start3A_216 : memref<10240x64xf32, #tpu.memory_space<vmem_shared>>) offsets(%dma_start3A_213 : memref<128xi32, #tpu.memory_space<vmem>>) semaphore(%run_scoped3A_207 : memref<!tpu.dma_semaphore, #tpu.memory_space<semaphore_mem>>) {add = true}
        %dma_wait3A_217 = arith.constant 128 : i32
        %dma_wait3A_218 = arith.constant 0 : i32
        %dma_wait3A_219 = tpu.memref_slice %arg10[%dma_wait3A_217, %dma_wait3A_218] : memref<1024x64xf32, #tpu.memory_space<vmem>> -> memref<128x64xf32, #tpu.memory_space<vmem>>
        %dma_wait3A_220 = arith.constant 0 : i32
        %dma_wait3A_221 = tpu.memref_slice %arg7[%run_scoped3A_199, %dma_wait3A_220] : memref<8x128xi32, #tpu.memory_space<vmem>> -> memref<1x128xi32, #tpu.memory_space<vmem>>
        %dma_wait3A_222 = tpu.memref_squeeze %dma_wait3A_221 : memref<1x128xi32, #tpu.memory_space<vmem>> -> memref<128xi32, #tpu.memory_space<vmem>>
        %dma_wait3A_223 = arith.constant 0 : i32
        %dma_wait3A_224 = arith.constant 0 : i32
        %dma_wait3A_225 = tpu.memref_slice %arg11[%dma_wait3A_223, %dma_wait3A_224] : memref<10240x64xf32, #tpu.memory_space<vmem_shared>> -> memref<10240x64xf32, #tpu.memory_space<vmem_shared>>
        tpu.wait_indirect_dma semaphore(%run_scoped3A_207 : memref<!tpu.dma_semaphore, #tpu.memory_space<semaphore_mem>>) src(%dma_wait3A_219 : memref<128x64xf32, #tpu.memory_space<vmem>>) dst(%dma_wait3A_225 : memref<10240x64xf32, #tpu.memory_space<vmem_shared>>)
        tpu.yield
      }) : () -> ()
      %run_scoped3A_200 = arith.constant 2 : i32
      "tpu.region"() ({
        %run_scoped3A_207 = tpu.sem_alloc : memref<!tpu.dma_semaphore, #tpu.memory_space<semaphore_mem>>
        %dma_start3A_208 = arith.constant 256 : i32
        %dma_start3A_209 = arith.constant 0 : i32
        %dma_start3A_210 = tpu.memref_slice %arg10[%dma_start3A_208, %dma_start3A_209] : memref<1024x64xf32, #tpu.memory_space<vmem>> -> memref<128x64xf32, #tpu.memory_space<vmem>>
        %dma_start3A_211 = arith.constant 0 : i32
        %dma_start3A_212 = tpu.memref_slice %arg7[%run_scoped3A_200, %dma_start3A_211] : memref<8x128xi32, #tpu.memory_space<vmem>> -> memref<1x128xi32, #tpu.memory_space<vmem>>
        %dma_start3A_213 = tpu.memref_squeeze %dma_start3A_212 : memref<1x128xi32, #tpu.memory_space<vmem>> -> memref<128xi32, #tpu.memory_space<vmem>>
        %dma_start3A_214 = arith.constant 0 : i32
        %dma_start3A_215 = arith.constant 0 : i32
        %dma_start3A_216 = tpu.memref_slice %arg11[%dma_start3A_214, %dma_start3A_215] : memref<10240x64xf32, #tpu.memory_space<vmem_shared>> -> memref<10240x64xf32, #tpu.memory_space<vmem_shared>>
        tpu.enqueue_indirect_dma source(%dma_start3A_210 : memref<128x64xf32, #tpu.memory_space<vmem>>) target(%dma_start3A_216 : memref<10240x64xf32, #tpu.memory_space<vmem_shared>>) offsets(%dma_start3A_213 : memref<128xi32, #tpu.memory_space<vmem>>) semaphore(%run_scoped3A_207 : memref<!tpu.dma_semaphore, #tpu.memory_space<semaphore_mem>>) {add = true}
        %dma_wait3A_217 = arith.constant 256 : i32
        %dma_wait3A_218 = arith.constant 0 : i32
        %dma_wait3A_219 = tpu.memref_slice %arg10[%dma_wait3A_217, %dma_wait3A_218] : memref<1024x64xf32, #tpu.memory_space<vmem>> -> memref<128x64xf32, #tpu.memory_space<vmem>>
        %dma_wait3A_220 = arith.constant 0 : i32
        %dma_wait3A_221 = tpu.memref_slice %arg7[%run_scoped3A_200, %dma_wait3A_220] : memref<8x128xi32, #tpu.memory_space<vmem>> -> memref<1x128xi32, #tpu.memory_space<vmem>>
        %dma_wait3A_222 = tpu.memref_squeeze %dma_wait3A_221 : memref<1x128xi32, #tpu.memory_space<vmem>> -> memref<128xi32, #tpu.memory_space<vmem>>
        %dma_wait3A_223 = arith.constant 0 : i32
        %dma_wait3A_224 = arith.constant 0 : i32
        %dma_wait3A_225 = tpu.memref_slice %arg11[%dma_wait3A_223, %dma_wait3A_224] : memref<10240x64xf32, #tpu.memory_space<vmem_shared>> -> memref<10240x64xf32, #tpu.memory_space<vmem_shared>>
        tpu.wait_indirect_dma semaphore(%run_scoped3A_207 : memref<!tpu.dma_semaphore, #tpu.memory_space<semaphore_mem>>) src(%dma_wait3A_219 : memref<128x64xf32, #tpu.memory_space<vmem>>) dst(%dma_wait3A_225 : memref<10240x64xf32, #tpu.memory_space<vmem_shared>>)
        tpu.yield
      }) : () -> ()
      %run_scoped3A_201 = arith.constant 3 : i32
      "tpu.region"() ({
        %run_scoped3A_207 = tpu.sem_alloc : memref<!tpu.dma_semaphore, #tpu.memory_space<semaphore_mem>>
        %dma_start3A_208 = arith.constant 384 : i32
        %dma_start3A_209 = arith.constant 0 : i32
        %dma_start3A_210 = tpu.memref_slice %arg10[%dma_start3A_208, %dma_start3A_209] : memref<1024x64xf32, #tpu.memory_space<vmem>> -> memref<128x64xf32, #tpu.memory_space<vmem>>
        %dma_start3A_211 = arith.constant 0 : i32
        %dma_start3A_212 = tpu.memref_slice %arg7[%run_scoped3A_201, %dma_start3A_211] : memref<8x128xi32, #tpu.memory_space<vmem>> -> memref<1x128xi32, #tpu.memory_space<vmem>>
        %dma_start3A_213 = tpu.memref_squeeze %dma_start3A_212 : memref<1x128xi32, #tpu.memory_space<vmem>> -> memref<128xi32, #tpu.memory_space<vmem>>
        %dma_start3A_214 = arith.constant 0 : i32
        %dma_start3A_215 = arith.constant 0 : i32
        %dma_start3A_216 = tpu.memref_slice %arg11[%dma_start3A_214, %dma_start3A_215] : memref<10240x64xf32, #tpu.memory_space<vmem_shared>> -> memref<10240x64xf32, #tpu.memory_space<vmem_shared>>
        tpu.enqueue_indirect_dma source(%dma_start3A_210 : memref<128x64xf32, #tpu.memory_space<vmem>>) target(%dma_start3A_216 : memref<10240x64xf32, #tpu.memory_space<vmem_shared>>) offsets(%dma_start3A_213 : memref<128xi32, #tpu.memory_space<vmem>>) semaphore(%run_scoped3A_207 : memref<!tpu.dma_semaphore, #tpu.memory_space<semaphore_mem>>) {add = true}
        %dma_wait3A_217 = arith.constant 384 : i32
        %dma_wait3A_218 = arith.constant 0 : i32
        %dma_wait3A_219 = tpu.memref_slice %arg10[%dma_wait3A_217, %dma_wait3A_218] : memref<1024x64xf32, #tpu.memory_space<vmem>> -> memref<128x64xf32, #tpu.memory_space<vmem>>
        %dma_wait3A_220 = arith.constant 0 : i32
        %dma_wait3A_221 = tpu.memref_slice %arg7[%run_scoped3A_201, %dma_wait3A_220] : memref<8x128xi32, #tpu.memory_space<vmem>> -> memref<1x128xi32, #tpu.memory_space<vmem>>
        %dma_wait3A_222 = tpu.memref_squeeze %dma_wait3A_221 : memref<1x128xi32, #tpu.memory_space<vmem>> -> memref<128xi32, #tpu.memory_space<vmem>>
        %dma_wait3A_223 = arith.constant 0 : i32
        %dma_wait3A_224 = arith.constant 0 : i32
        %dma_wait3A_225 = tpu.memref_slice %arg11[%dma_wait3A_223, %dma_wait3A_224] : memref<10240x64xf32, #tpu.memory_space<vmem_shared>> -> memref<10240x64xf32, #tpu.memory_space<vmem_shared>>
        tpu.wait_indirect_dma semaphore(%run_scoped3A_207 : memref<!tpu.dma_semaphore, #tpu.memory_space<semaphore_mem>>) src(%dma_wait3A_219 : memref<128x64xf32, #tpu.memory_space<vmem>>) dst(%dma_wait3A_225 : memref<10240x64xf32, #tpu.memory_space<vmem_shared>>)
        tpu.yield
      }) : () -> ()
      %run_scoped3A_202 = arith.constant 4 : i32
      "tpu.region"() ({
        %run_scoped3A_207 = tpu.sem_alloc : memref<!tpu.dma_semaphore, #tpu.memory_space<semaphore_mem>>
        %dma_start3A_208 = arith.constant 512 : i32
        %dma_start3A_209 = arith.constant 0 : i32
        %dma_start3A_210 = tpu.memref_slice %arg10[%dma_start3A_208, %dma_start3A_209] : memref<1024x64xf32, #tpu.memory_space<vmem>> -> memref<128x64xf32, #tpu.memory_space<vmem>>
        %dma_start3A_211 = arith.constant 0 : i32
        %dma_start3A_212 = tpu.memref_slice %arg7[%run_scoped3A_202, %dma_start3A_211] : memref<8x128xi32, #tpu.memory_space<vmem>> -> memref<1x128xi32, #tpu.memory_space<vmem>>
        %dma_start3A_213 = tpu.memref_squeeze %dma_start3A_212 : memref<1x128xi32, #tpu.memory_space<vmem>> -> memref<128xi32, #tpu.memory_space<vmem>>
        %dma_start3A_214 = arith.constant 0 : i32
        %dma_start3A_215 = arith.constant 0 : i32
        %dma_start3A_216 = tpu.memref_slice %arg11[%dma_start3A_214, %dma_start3A_215] : memref<10240x64xf32, #tpu.memory_space<vmem_shared>> -> memref<10240x64xf32, #tpu.memory_space<vmem_shared>>
        tpu.enqueue_indirect_dma source(%dma_start3A_210 : memref<128x64xf32, #tpu.memory_space<vmem>>) target(%dma_start3A_216 : memref<10240x64xf32, #tpu.memory_space<vmem_shared>>) offsets(%dma_start3A_213 : memref<128xi32, #tpu.memory_space<vmem>>) semaphore(%run_scoped3A_207 : memref<!tpu.dma_semaphore, #tpu.memory_space<semaphore_mem>>) {add = true}
        %dma_wait3A_217 = arith.constant 512 : i32
        %dma_wait3A_218 = arith.constant 0 : i32
        %dma_wait3A_219 = tpu.memref_slice %arg10[%dma_wait3A_217, %dma_wait3A_218] : memref<1024x64xf32, #tpu.memory_space<vmem>> -> memref<128x64xf32, #tpu.memory_space<vmem>>
        %dma_wait3A_220 = arith.constant 0 : i32
        %dma_wait3A_221 = tpu.memref_slice %arg7[%run_scoped3A_202, %dma_wait3A_220] : memref<8x128xi32, #tpu.memory_space<vmem>> -> memref<1x128xi32, #tpu.memory_space<vmem>>
        %dma_wait3A_222 = tpu.memref_squeeze %dma_wait3A_221 : memref<1x128xi32, #tpu.memory_space<vmem>> -> memref<128xi32, #tpu.memory_space<vmem>>
        %dma_wait3A_223 = arith.constant 0 : i32
        %dma_wait3A_224 = arith.constant 0 : i32
        %dma_wait3A_225 = tpu.memref_slice %arg11[%dma_wait3A_223, %dma_wait3A_224] : memref<10240x64xf32, #tpu.memory_space<vmem_shared>> -> memref<10240x64xf32, #tpu.memory_space<vmem_shared>>
        tpu.wait_indirect_dma semaphore(%run_scoped3A_207 : memref<!tpu.dma_semaphore, #tpu.memory_space<semaphore_mem>>) src(%dma_wait3A_219 : memref<128x64xf32, #tpu.memory_space<vmem>>) dst(%dma_wait3A_225 : memref<10240x64xf32, #tpu.memory_space<vmem_shared>>)
        tpu.yield
      }) : () -> ()
      %run_scoped3A_203 = arith.constant 5 : i32
      "tpu.region"() ({
        %run_scoped3A_207 = tpu.sem_alloc : memref<!tpu.dma_semaphore, #tpu.memory_space<semaphore_mem>>
        %dma_start3A_208 = arith.constant 640 : i32
        %dma_start3A_209 = arith.constant 0 : i32
        %dma_start3A_210 = tpu.memref_slice %arg10[%dma_start3A_208, %dma_start3A_209] : memref<1024x64xf32, #tpu.memory_space<vmem>> -> memref<128x64xf32, #tpu.memory_space<vmem>>
        %dma_start3A_211 = arith.constant 0 : i32
        %dma_start3A_212 = tpu.memref_slice %arg7[%run_scoped3A_203, %dma_start3A_211] : memref<8x128xi32, #tpu.memory_space<vmem>> -> memref<1x128xi32, #tpu.memory_space<vmem>>
        %dma_start3A_213 = tpu.memref_squeeze %dma_start3A_212 : memref<1x128xi32, #tpu.memory_space<vmem>> -> memref<128xi32, #tpu.memory_space<vmem>>
        %dma_start3A_214 = arith.constant 0 : i32
        %dma_start3A_215 = arith.constant 0 : i32
        %dma_start3A_216 = tpu.memref_slice %arg11[%dma_start3A_214, %dma_start3A_215] : memref<10240x64xf32, #tpu.memory_space<vmem_shared>> -> memref<10240x64xf32, #tpu.memory_space<vmem_shared>>
        tpu.enqueue_indirect_dma source(%dma_start3A_210 : memref<128x64xf32, #tpu.memory_space<vmem>>) target(%dma_start3A_216 : memref<10240x64xf32, #tpu.memory_space<vmem_shared>>) offsets(%dma_start3A_213 : memref<128xi32, #tpu.memory_space<vmem>>) semaphore(%run_scoped3A_207 : memref<!tpu.dma_semaphore, #tpu.memory_space<semaphore_mem>>) {add = true}
        %dma_wait3A_217 = arith.constant 640 : i32
        %dma_wait3A_218 = arith.constant 0 : i32
        %dma_wait3A_219 = tpu.memref_slice %arg10[%dma_wait3A_217, %dma_wait3A_218] : memref<1024x64xf32, #tpu.memory_space<vmem>> -> memref<128x64xf32, #tpu.memory_space<vmem>>
        %dma_wait3A_220 = arith.constant 0 : i32
        %dma_wait3A_221 = tpu.memref_slice %arg7[%run_scoped3A_203, %dma_wait3A_220] : memref<8x128xi32, #tpu.memory_space<vmem>> -> memref<1x128xi32, #tpu.memory_space<vmem>>
        %dma_wait3A_222 = tpu.memref_squeeze %dma_wait3A_221 : memref<1x128xi32, #tpu.memory_space<vmem>> -> memref<128xi32, #tpu.memory_space<vmem>>
        %dma_wait3A_223 = arith.constant 0 : i32
        %dma_wait3A_224 = arith.constant 0 : i32
        %dma_wait3A_225 = tpu.memref_slice %arg11[%dma_wait3A_223, %dma_wait3A_224] : memref<10240x64xf32, #tpu.memory_space<vmem_shared>> -> memref<10240x64xf32, #tpu.memory_space<vmem_shared>>
        tpu.wait_indirect_dma semaphore(%run_scoped3A_207 : memref<!tpu.dma_semaphore, #tpu.memory_space<semaphore_mem>>) src(%dma_wait3A_219 : memref<128x64xf32, #tpu.memory_space<vmem>>) dst(%dma_wait3A_225 : memref<10240x64xf32, #tpu.memory_space<vmem_shared>>)
        tpu.yield
      }) : () -> ()
      %run_scoped3A_204 = arith.constant 6 : i32
      "tpu.region"() ({
        %run_scoped3A_207 = tpu.sem_alloc : memref<!tpu.dma_semaphore, #tpu.memory_space<semaphore_mem>>
        %dma_start3A_208 = arith.constant 768 : i32
        %dma_start3A_209 = arith.constant 0 : i32
        %dma_start3A_210 = tpu.memref_slice %arg10[%dma_start3A_208, %dma_start3A_209] : memref<1024x64xf32, #tpu.memory_space<vmem>> -> memref<128x64xf32, #tpu.memory_space<vmem>>
        %dma_start3A_211 = arith.constant 0 : i32
        %dma_start3A_212 = tpu.memref_slice %arg7[%run_scoped3A_204, %dma_start3A_211] : memref<8x128xi32, #tpu.memory_space<vmem>> -> memref<1x128xi32, #tpu.memory_space<vmem>>
        %dma_start3A_213 = tpu.memref_squeeze %dma_start3A_212 : memref<1x128xi32, #tpu.memory_space<vmem>> -> memref<128xi32, #tpu.memory_space<vmem>>
        %dma_start3A_214 = arith.constant 0 : i32
        %dma_start3A_215 = arith.constant 0 : i32
        %dma_start3A_216 = tpu.memref_slice %arg11[%dma_start3A_214, %dma_start3A_215] : memref<10240x64xf32, #tpu.memory_space<vmem_shared>> -> memref<10240x64xf32, #tpu.memory_space<vmem_shared>>
        tpu.enqueue_indirect_dma source(%dma_start3A_210 : memref<128x64xf32, #tpu.memory_space<vmem>>) target(%dma_start3A_216 : memref<10240x64xf32, #tpu.memory_space<vmem_shared>>) offsets(%dma_start3A_213 : memref<128xi32, #tpu.memory_space<vmem>>) semaphore(%run_scoped3A_207 : memref<!tpu.dma_semaphore, #tpu.memory_space<semaphore_mem>>) {add = true}
        %dma_wait3A_217 = arith.constant 768 : i32
        %dma_wait3A_218 = arith.constant 0 : i32
        %dma_wait3A_219 = tpu.memref_slice %arg10[%dma_wait3A_217, %dma_wait3A_218] : memref<1024x64xf32, #tpu.memory_space<vmem>> -> memref<128x64xf32, #tpu.memory_space<vmem>>
        %dma_wait3A_220 = arith.constant 0 : i32
        %dma_wait3A_221 = tpu.memref_slice %arg7[%run_scoped3A_204, %dma_wait3A_220] : memref<8x128xi32, #tpu.memory_space<vmem>> -> memref<1x128xi32, #tpu.memory_space<vmem>>
        %dma_wait3A_222 = tpu.memref_squeeze %dma_wait3A_221 : memref<1x128xi32, #tpu.memory_space<vmem>> -> memref<128xi32, #tpu.memory_space<vmem>>
        %dma_wait3A_223 = arith.constant 0 : i32
        %dma_wait3A_224 = arith.constant 0 : i32
        %dma_wait3A_225 = tpu.memref_slice %arg11[%dma_wait3A_223, %dma_wait3A_224] : memref<10240x64xf32, #tpu.memory_space<vmem_shared>> -> memref<10240x64xf32, #tpu.memory_space<vmem_shared>>
        tpu.wait_indirect_dma semaphore(%run_scoped3A_207 : memref<!tpu.dma_semaphore, #tpu.memory_space<semaphore_mem>>) src(%dma_wait3A_219 : memref<128x64xf32, #tpu.memory_space<vmem>>) dst(%dma_wait3A_225 : memref<10240x64xf32, #tpu.memory_space<vmem_shared>>)
        tpu.yield
      }) : () -> ()
      %run_scoped3A_205 = arith.constant 7 : i32
      "tpu.region"() ({
        %run_scoped3A_207 = tpu.sem_alloc : memref<!tpu.dma_semaphore, #tpu.memory_space<semaphore_mem>>
        %dma_start3A_208 = arith.constant 896 : i32
        %dma_start3A_209 = arith.constant 0 : i32
        %dma_start3A_210 = tpu.memref_slice %arg10[%dma_start3A_208, %dma_start3A_209] : memref<1024x64xf32, #tpu.memory_space<vmem>> -> memref<128x64xf32, #tpu.memory_space<vmem>>
        %dma_start3A_211 = arith.constant 0 : i32
        %dma_start3A_212 = tpu.memref_slice %arg7[%run_scoped3A_205, %dma_start3A_211] : memref<8x128xi32, #tpu.memory_space<vmem>> -> memref<1x128xi32, #tpu.memory_space<vmem>>
        %dma_start3A_213 = tpu.memref_squeeze %dma_start3A_212 : memref<1x128xi32, #tpu.memory_space<vmem>> -> memref<128xi32, #tpu.memory_space<vmem>>
        %dma_start3A_214 = arith.constant 0 : i32
        %dma_start3A_215 = arith.constant 0 : i32
        %dma_start3A_216 = tpu.memref_slice %arg11[%dma_start3A_214, %dma_start3A_215] : memref<10240x64xf32, #tpu.memory_space<vmem_shared>> -> memref<10240x64xf32, #tpu.memory_space<vmem_shared>>
        tpu.enqueue_indirect_dma source(%dma_start3A_210 : memref<128x64xf32, #tpu.memory_space<vmem>>) target(%dma_start3A_216 : memref<10240x64xf32, #tpu.memory_space<vmem_shared>>) offsets(%dma_start3A_213 : memref<128xi32, #tpu.memory_space<vmem>>) semaphore(%run_scoped3A_207 : memref<!tpu.dma_semaphore, #tpu.memory_space<semaphore_mem>>) {add = true}
        %dma_wait3A_217 = arith.constant 896 : i32
        %dma_wait3A_218 = arith.constant 0 : i32
        %dma_wait3A_219 = tpu.memref_slice %arg10[%dma_wait3A_217, %dma_wait3A_218] : memref<1024x64xf32, #tpu.memory_space<vmem>> -> memref<128x64xf32, #tpu.memory_space<vmem>>
        %dma_wait3A_220 = arith.constant 0 : i32
        %dma_wait3A_221 = tpu.memref_slice %arg7[%run_scoped3A_205, %dma_wait3A_220] : memref<8x128xi32, #tpu.memory_space<vmem>> -> memref<1x128xi32, #tpu.memory_space<vmem>>
        %dma_wait3A_222 = tpu.memref_squeeze %dma_wait3A_221 : memref<1x128xi32, #tpu.memory_space<vmem>> -> memref<128xi32, #tpu.memory_space<vmem>>
        %dma_wait3A_223 = arith.constant 0 : i32
        %dma_wait3A_224 = arith.constant 0 : i32
        %dma_wait3A_225 = tpu.memref_slice %arg11[%dma_wait3A_223, %dma_wait3A_224] : memref<10240x64xf32, #tpu.memory_space<vmem_shared>> -> memref<10240x64xf32, #tpu.memory_space<vmem_shared>>
        tpu.wait_indirect_dma semaphore(%run_scoped3A_207 : memref<!tpu.dma_semaphore, #tpu.memory_space<semaphore_mem>>) src(%dma_wait3A_219 : memref<128x64xf32, #tpu.memory_space<vmem>>) dst(%dma_wait3A_225 : memref<10240x64xf32, #tpu.memory_space<vmem_shared>>)
        tpu.yield
      }) : () -> ()
      %scan3A_206 = arith.constant 0 : i32
      scf.yield %scan3A_206 : i32
    }
    %scan3A_14 = arith.constant 20 : i32
    %barrier3A_15 = arith.constant 0 : index
    tpu.barrier barrier_id(%barrier3A_15)
    %mul3A_16 = arith.constant 10240 : i32
    %mul3A_17 = arith.muli %arg0, %mul3A_16 : i32
    %add3A = arith.addi %mul3A_17, %mul3A_7 : i32
    "tpu.region"() ({
      %run_scoped3A = tpu.sem_alloc : memref<!tpu.dma_semaphore, #tpu.memory_space<semaphore_mem>>
      %dma_start3A = arith.constant 0 : i32
      %dma_start3A_18 = tpu.memref_slice %arg6[%add3A, %dma_start3A] : memref<20480x64xf32, #tpu.memory_space<hbm>> -> memref<640x64xf32, #tpu.memory_space<hbm>>
      %dma_start3A_19 = arith.constant 0 : i32
      %dma_start3A_20 = tpu.memref_slice %arg11[%mul3A_7, %dma_start3A_19] : memref<10240x64xf32, #tpu.memory_space<vmem_shared>> -> memref<640x64xf32, #tpu.memory_space<vmem_shared>>
      tpu.enqueue_dma source(%dma_start3A_20 : memref<640x64xf32, #tpu.memory_space<vmem_shared>>) target(%dma_start3A_18 : memref<640x64xf32, #tpu.memory_space<hbm>>) target_semaphore(%run_scoped3A : memref<!tpu.dma_semaphore, #tpu.memory_space<semaphore_mem>>)
      %dma_wait3A = arith.constant 0 : i32
      %dma_wait3A_21 = tpu.memref_slice %arg6[%add3A, %dma_wait3A] : memref<20480x64xf32, #tpu.memory_space<hbm>> -> memref<640x64xf32, #tpu.memory_space<hbm>>
      %dma_wait3A_22 = arith.constant 0 : i32
      %dma_wait3A_23 = tpu.memref_slice %arg11[%mul3A_7, %dma_wait3A_22] : memref<10240x64xf32, #tpu.memory_space<vmem_shared>> -> memref<640x64xf32, #tpu.memory_space<vmem_shared>>
      tpu.wait_dma2 semaphore(%run_scoped3A : memref<!tpu.dma_semaphore, #tpu.memory_space<semaphore_mem>>) src(%dma_wait3A_23 : memref<640x64xf32, #tpu.memory_space<vmem_shared>>) dst(%dma_wait3A_21 : memref<640x64xf32, #tpu.memory_space<hbm>>)
      tpu.yield
    }) : () -> ()
    return
  }
}

</mosaic_0001>

<sc_bundles>
// kernel: kernel.3.cloned.1.call-start
scs
__scs_entry_jumppad:
0x0: {  	(pc) =	sbr.rel $0x88, $3  }
0x1: {  	(tag) =	ssettag $0x0;
	lr =	simm.s32 $0x1  }
0x2: {  	[smem:$0x3F9E] =	sst lr;
	_ =	strace $0xD0000000  }
0x3: {  	_ = 	snop  }
0x4: {  	_ = 	snop  }
0x5: {  	_ = 	snop  }
0x6: {  	_ = 	snop  }
0x7: {  	_ = 	snop  }
__scs_overlays_trampoline_lowered:
0x8: {  	[smem:$0x3FAD] =	sst s0  }
0x9: {  	[smem:$0x3FAE] =	sst s1  }
0xa: {  	[smem:$0x3FAF] =	sst s2  }
0xb: {  	[smem:$0x3FB0] =	sst s3  }
0xc: {  	[smem:$0x3FB1] =	sst s4  }
0xd: {  	[smem:$0x3FB2] =	sst s5  }
0xe: {  	[smem:$0x3FB3] =	sst s6  }
0xf: {  	[smem:$0x3FB4] =	sst s7  }
0x10: {  	[smem:$0x3FB5] =	sst s8  }
0x11: {  	[smem:$0x3FB6] =	sst s9;
	s0 =	simm.s32 @!p0 $0x0  }
0x12: {  	s1 =	sld [smem:$0x3F9C];
	s0 =	simm.s32 @p0 $0x1  }
0x13: {  	[smem:$0x3FB7] =	sst s0;
	s0 =	simm.s32 @!p1 $0x0  }
0x14: {  	s2 =	sld [smem:$0x3F9B];
	s0 =	simm.s32 @p1 $0x1  }
0x15: {  	[smem:$0x3FB8] =	sst s0;
	s0 =	simm.s32 @!p2 $0x0  }
0x16: {  	s3 =	sld [smem:$0x3FDB];
	s0 =	simm.s32 @p2 $0x1  }
0x17: {  	s4 =	simm.s32 $0x1BF5;
	[smem:$0x3FBA] =	sst s0  }
0x18: {  	s0 =	sld [smem:$0x3F9D];
	_ =	swait.ge [sflag:s4], $0x0  }
0x19: {  	s7 =	sld [smem:$0x3F9E]  }
0x1a: {  	s8 =	sadd.s32 $0xFFFFE003, lr  }
0x1b: {  	s9 =	sadd.s32 $0xFFFFFEF7, lr;
	s5 =	simm.s32 $0xFFFFFFFF;
	p2 =	slt.u32 s8, $0xFFFFF086  }
0x1c: {  	p1 =	slt.u32 s9, $0xF7A;
	s5 =	simm.s32 @!p2 $0x0  }
0x1d: {  	s5 =	simm.s32 @p1 $0x1;
	p0 =	seq.s32 s7, s2  }
0x1e: {  	s7 =	smul.u32 @!p0 $0xF7A, s2;
	p2 =	seq.s32 @!p0 s5, $0x0  }
0x1f: {  	s9 =	smul.u32 $0xF7A, s1;
	s8 =	simm.s32 @!p0 $0x1BF5;
	p2 =	por !p2, p0  }
0x20: {  	[sflag:s8] =	ssyncset.s32 @!p0 $0xFFFFF086;
	s6 =	sadd.s32 @!p0 s3, s7;
	s7 =	simm.s32 @!p0 $0x108  }
0x21: {  	s3 =	sadd.s32 s3, s9;
	s6 =	sadd.s32 @!p0 $0x88, s6;
	s7 =	simm.s32 @p2 $0x1082  }
0x22: {  	[simem:s7], [sflag:s8] =	dma.local @!p0 [hbm:s6], $0xF7A  }
0x23: {  	s9 =	sor.u32 $0xD0000000, s2;
	s6 =	simm.s32 $0x108;
	_ =	swait.ge @!p0 [sflag:s8], $0x0  }
0x24: {  	s3 =	sadd.s32 $0x88, s3;
	s6 =	simm.s32 @!p1 $0x1082;
	[sflag:s4] =	ssyncset.s32 $0xFFFFF086  }
0x25: {  	[simem:s6], [sflag:s4] =	dma.local [hbm:s3], $0xF7A  }
0x26: {  	[smem:$0x3F9E] =	sst s1;
	(tag) =	ssettag s2;
	_ =	strace s9  }
0x27: {  	s1 =	sld [smem:$0x3FAE]  }
0x28: {  	s2 =	sld [smem:$0x3FAF]  }
0x29: {  	s4 =	sld [smem:$0x3FB1]  }
0x2a: {  	p0 =	seq.s32 s5, $0x0;
	s5 =	sld [smem:$0x3FB2]  }
0x2b: {  	s6 =	sld [smem:$0x3FB3]  }
0x2c: {  	s7 =	sld [smem:$0x3FB4]  }
0x2d: {  	s3 =	simm.s32 $0x108;
	s8 =	sld [smem:$0x3FB5]  }
0x2e: {  	s3 =	simm.s32 @!p0 $0x1082;
	s9 =	sld [smem:$0x3FB6]  }
0x2f: {  	lr =	sadd.s32 s0, s3;
	s0 =	sld [smem:$0x3FAD]  }
0x30: {  	s3 =	sld [smem:$0x3FB0]  }
0x31: {  	[smem:$0x3FB9] =	sst s10  }
0x32: {  	s10 =	sld [smem:$0x3FB7];
	_ =	sdelay $0x3  }
0x33: {  	p0 =	seq.s32 s10, $0x1;
	s10 =	sld [smem:$0x3FB9];
	_ =	sdelay $0x3  }
0x34: {  	[smem:$0x3FB9] =	sst s10  }
0x35: {  	s10 =	sld [smem:$0x3FB8];
	_ =	sdelay $0x3  }
0x36: {  	p1 =	seq.s32 s10, $0x1;
	s10 =	sld [smem:$0x3FB9];
	_ =	sdelay $0x3  }
0x37: {  	[smem:$0x3FB9] =	sst s10  }
0x38: {  	s10 =	sld [smem:$0x3FBA]  }
0x39: {  	_ = 	snop;
	(pc) =	sbr.ind lr, $3  }
0x3a: {  	_ = 	snop  }
0x3b: {  	_ = 	snop  }
0x3c: {  	p2 =	seq.s32 s10, $0x1;
	s10 =	sld [smem:$0x3FB9]  }
0x3d: {  	_ =	shalt  }
0x3e: {  	_ =	shalt  }
0x3f: {  	_ =	shalt  }
0x40: {  	_ =	shalt  }
0x41: {  	_ =	shalt  }
0x42: {  	_ =	shalt  }
0x43: {  	_ =	shalt  }
0x44: {  	_ =	shalt  }
0x45: {  	_ =	shalt  }
0x46: {  	_ =	shalt  }
0x47: {  	_ =	shalt  }
0x48: {  	_ =	shalt  }
0x49: {  	_ =	shalt  }
0x4a: {  	_ =	shalt  }
0x4b: {  	_ =	shalt  }
0x4c: {  	_ =	shalt  }
0x4d: {  	_ =	shalt  }
0x4e: {  	_ =	shalt  }
0x4f: {  	_ =	shalt  }
0x50: {  	_ =	shalt  }
0x51: {  	_ =	shalt  }
0x52: {  	_ =	shalt  }
0x53: {  	_ =	shalt  }
0x54: {  	_ =	shalt  }
0x55: {  	_ =	shalt  }
0x56: {  	_ =	shalt  }
0x57: {  	_ =	shalt  }
0x58: {  	_ =	shalt  }
0x59: {  	_ =	shalt  }
0x5a: {  	_ =	shalt  }
0x5b: {  	_ =	shalt  }
0x5c: {  	_ =	shalt  }
0x5d: {  	_ =	shalt  }
0x5e: {  	_ =	shalt  }
0x5f: {  	_ =	shalt  }
0x60: {  	_ =	shalt  }
0x61: {  	_ =	shalt  }
0x62: {  	_ =	shalt  }
0x63: {  	_ =	shalt  }
0x64: {  	_ =	shalt  }
0x65: {  	_ =	shalt  }
0x66: {  	_ =	shalt  }
0x67: {  	_ =	shalt  }
0x68: {  	_ =	shalt  }
0x69: {  	_ =	shalt  }
0x6a: {  	_ =	shalt  }
0x6b: {  	_ =	shalt  }
0x6c: {  	_ =	shalt  }
0x6d: {  	_ =	shalt  }
0x6e: {  	_ =	shalt  }
0x6f: {  	_ =	shalt  }
0x70: {  	_ =	shalt  }
0x71: {  	_ =	shalt  }
0x72: {  	_ =	shalt  }
0x73: {  	_ =	shalt  }
0x74: {  	_ =	shalt  }
0x75: {  	_ =	shalt  }
0x76: {  	_ =	shalt  }
0x77: {  	_ =	shalt  }
0x78: {  	_ =	shalt  }
0x79: {  	_ =	shalt  }
0x7a: {  	_ =	shalt  }
0x7b: {  	_ =	shalt  }
0x7c: {  	_ =	shalt  }
0x7d: {  	_ =	shalt  }
0x7e: {  	_ =	shalt  }
0x7f: {  	_ =	shalt  }
0x80: {  	_ =	shalt  }
0x81: {  	_ =	shalt  }
0x82: {  	_ =	shalt  }
0x83: {  	_ =	shalt  }
0x84: {  	_ =	shalt  }
0x85: {  	_ =	shalt  }
0x86: {  	_ =	shalt  }
0x87: {  	_ =	shalt  }
.Lfunc_end0:
.L_simem_size_0:
called_computation_lowered:
.L_overlay_start_0:
0x88: {  	s2 =	sld [smem:$0x3FD9]  }
0x89: {  	s3 =	sld [smem:$0x3FFE];
	_ =	sdelay $0x1  }
0x8a: {  	s1 =	srdreg.scid  }
0x8b: {  	s0 =	sand.u32 $0x1, s1  }
0x8c: {  	s17 =	sshll.u32 s0, $0xA;
	s2 =	sadd.s32 s3, s2  }
0x8d: {  	s2 =	sadd.s32 s2, s17  }
0x8e: {  	[smem:$0x3FC5] =	sst s2  }
0x8f: {  	_ = 	snop  }
0x90: {  	s2 =	sld [smem:$0x3FD0];
	(tm) =	ssettm $0x1  }
0x91: {  	s18 =	sld [smem:$0x3FFB];
	_ =	sdelay $0x3  }
0x92: {  	_ =	strace s18  }
0x93: {  	s3 =	sld [smem:$0x3FFC];
	_ =	sdelay $0x3  }
0x94: {  	_ =	strace s3  }
0x95: {  	s3 =	sld [smem:$0x3FFD];
	_ =	sdelay $0x3  }
0x96: {  	_ =	strace s3  }
0x97: {  	_ =	strace $0x8FFFFFFF  }
0x98: {  	s19 =	sld [smem:$0x3FDB];
	_ =	sdelay $0x1  }
0x99: {  	s4 =	simm.s32 $_scs_section_size  }
0x9a: {  	s5 =	simm.s32 $_size__tile_overlayer_lowered;
	s6 =	simm.s32 $_tile_overlayer_lowered  }
0x9b: {  	s22 =	simm.s32 $0x1BFF;
	s21 =	sshll.u32 s6, $0x1;
	s3 =	sadd.s32 s4, s19  }
0x9c: {  	s7 =	simm.s32 $0x0;
	s20 =	sshll.u32 s5, $0x1;
	s5 =	sadd.s32 s21, s3  }
0x9d: {  	[timem:s7], [sflag:s22] =	dma.local [hbm:s5], s20  }
0x9e: {  	_ =	swait.ge [sflag:s22], s20  }
0x9f: {  	s4 =	ssub.s32 $0x0, s20;
	[sflag:s22] =	ssyncset.done $0x0  }
0xa0: {  	[sflag:s22] =	ssyncadd.s32 s4;
	_ =	sdelay $0x1  }
0xa1: {  	s23 =	simm.s32 $0x1B8B  }
0xa2: {  	_ =	swait.ge [sflag:s23], $0x1  }
0xa3: {  	[sflag:s23] =	ssyncset.done $0x0  }
0xa4: {  	s25 =	simm.s32 $0x1B8E;
	s24 =	sld [smem:$0x3FFE];
	[sflag:s23] =	ssyncadd.s32 $0xFFFFFFFF  }
0xa5: {  	s26 =	simm.s32 $execute0_lowered;
	[smem:$0x3FD2] =	sst s25  }
0xa6: {  	s5 =	sshll.u32 s26, $0x1;
	_ =	strace $0x80000046;
	[dreg:$0x1] =	wrdreg $0xFFFFFFFF  }
0xa7: {  	s28 =	simm.s32 $_size_execute0_lowered;
	s3 =	sadd.s32 s3, s5;
	[dreg:$0x0] =	wrdreg $0x0  }
0xa8: {  	s5 =	sshll.u32 s28, $0x1;
	[dreg:$0x2] =	wrdreg s3  }
0xa9: {  	[dreg:$0x3] =	wrdreg s5  }
0xaa: {  	[dreg:$0x4] =	wrdreg $0xC0  }
0xab: {  	_ =	task [dreg:s7], $0x5FFFF  }
0xac: {  	[dreg:$0x1] =	wrdreg $0xFFFFFFFF  }
0xad: {  	[dreg:$0x0] =	wrdreg $0x60  }
0xae: {  	[dreg:$0x2] =	wrdreg s24  }
0xaf: {  	[dreg:$0x3] =	wrdreg s2  }
0xb0: {  	[dreg:$0x4] =	wrdreg $0x10C000  }
0xb1: {  	[dreg:$0x5] =	wrdreg $0x9  }
0xb2: {  	_ =	task.clear_ibuf [dreg:s7], $0x6FFFF;
	_ =	strace $0x90000046  }
0xb3: {  	s29 =	simm.s32 $0x9;
	_ =	strace $0x80000048  }
0xb4: {  	_ =	swait.ge [sflag:s29], $0x1  }
0xb5: {  	[sflag:s29] =	ssyncadd.s32 $0xFFFFFFFF  }
0xb6: {  	_ =	strace $0x90000048  }
0xb7: {  	_ =	sfence  }
0xb8: {  	s30 =	sld [smem:$0x0];
	_ =	sdelay $0x2  }
0xb9: {  	s31 =	sshll.u32 s1, $0xD;
	s1 =	sshrl.u32 s1, $0x2  }
0xba: {  	s3 =	sand.u32 $0x4000, s31;
	s1 =	sadd.s32 s1, s30  }
0xbb: {  	s0 =	sor.u32 s3, s0;
	s1 =	sshll.u32 s1, $0x11  }
0xbc: {  	s0 =	sor.u32 s1, s0  }
0xbd: {  	s0 =	sadd.s32 $0x8F2B, s0  }
0xbe: {  	[sflag:s0] =	ssyncadd.remote.s32 $0x1  }
0xbf: {  	_ =	sfence.sel $0xFFFF  }
0xc0: {  	[dreg:$0x0] =	wrdreg $0xFFFFFFFF;
	(pc) =	sbr.abs _section_cstart, $3  }
0xc1: {  	[dreg:$0x1] =	wrdreg $0xFFFFFFFF  }
0xc2: {  	_ =	task.clear_ibuf [dreg:s7], $0x2FFFF;
	_ =	strace $0x9FFFFFFF  }
0xc3: {  	(tm) =	ssettm $0x7FFFFFFF  }
tec
execute0_lowered:
.L_overlay_start_1:
0x0: {  	(tag) =	ssettag $0x1  }
0x1: {  	s0 =	rddreg [dreg:$0x0]  }
0x2: {  	s3 =	rddreg [dreg:$0x2];
	s2 =	simm.s32 $0x0;
	s1 =	srdreg.scid  }
0x3: {  	s9 =	stileid.u32;
	s13 =	simm.s32 $0xC00;
	s14 =	simm.s32 $0x2  }
0x4: {  	s15 =	simm.s32 $0x400;
	s17 =	simm.s32 $0x80;
	s19 =	simm.s32 $0x2C00  }
0x5: {  	s21 =	simm.s32 $0x4C00;
	s28 =	simm.s32 $0xAC00;
	s29 =	simm.s32 $0x700  }
0x6: {  	s30 =	simm.s32 $0xCC00;
	s31 =	simm.s32 $0x780;
	s11 =	simm.s32 $0x100  }
0x7: {  	s12 =	simm.s32 $0x180;
	s16 =	simm.s32 $0x380;
	s23 =	smul.u32 $0x1400, s9  }
0x8: {  	s20 =	simm.s32 $0x0;
	[smem:$0x7FF] =	sst s2;
	s8 =	smul.u32 $0x28000, s9  }
0x9: {  	s1 =	sand.u32 $0x1, s1;
	s5 =	sadd.s32 $0x600, s0;
	s9 =	smul.u32 $0xA0, s9  }
0xa: {  	s6 =	sadd.s32 $0x28600, s0;
	s7 =	sadd.s32 $0x32600, s0;
	s4 =	smul.u32 $0x14000, s1  }
0xb: {  	_ =	strace $0x80000047;
	s24 =	ssub.s32 $0x2, s1;
	s10 =	smul.u32 $0xA00, s1  }
0xc: {  	s1 =	simm.s32 $0x280;
	s25 =	sshrl.u32 s24, $0x1;
	s8 =	sshrl.u32 s8, $0x2  }
0xd: {  	s2 =	sadd.s32 s23, s4;
	s23 =	simm.s32 $0x6C00;
	s4 =	simm.s32 $0x300  }
0xe: {  	s0 =	sadd.s32 s2, s0;
	s2 =	ssub.s32 s24, s25;
	s24 =	sadd.s32 s8, s3  }
0xf: {  	s25 =	simm.s32 $0x8C00;
	s0 =	sadd.s32 $0x3C600, s0;
	[dreg:$0x4] =	wrdreg s24  }
0x10: {  	s8 =	simm.s32 $0x200;
	s26 =	smax.u32 s2, $0x1;
	[dreg:$0x5] =	wrdreg s0  }
0x11: {  	v0 =	vimm.f32 $0.0e+00;
	s2 =	simm.s32 $0x1;
	[dreg:$0x6] =	wrdreg s26;
	s0 =	simm.s32 $0xEC00  }
.LBB2_1:
0x12: {  	[dreg:$0x7] =	wrdreg s20;
	s20 =	simm.s32 $0x100;
	s18 =	simm.s32 $0x0  }
.LBB2_2:
0x13: {  	p0 =	sne.s32 s20, $0x27F00;
	[tilespmem:s18+$0xC30] =	vst v0;
	s22 =	smov.u32 s20;
	s20 =	sadd.s32 $0x100, s20  }
.Ltmp0:
0x14: {  	[tilespmem:s18+$0xC20] =	vst v0;
	(pc) =	sbr.rel @p0 .LBB2_2-.Ltmp0, $3  }
0x15: {  	[tilespmem:s18+$0xC00] =	vst v0  }
0x16: {  	[tilespmem:s18+$0xC10] =	vst v0;
	_ =	sdelay $0x1  }
0x17: {  	s18 =	sshra.s32 s22, $0x2  }
0x18: {  	[tilespmem:s18+$0xC30] =	vst v0  }
0x19: {  	[tilespmem:s18+$0xC20] =	vst v0  }
0x1a: {  	[tilespmem:s18+$0xC00] =	vst v0  }
0x1b: {  	[tilespmem:s18+$0xC10] =	vst v0  }
0x1c: {  	[spmem:s24] =	stream.linear.scatter [tilespmem:s13], [sflag:$0x2], $0xA000, $0x38;
	[tilespmem:$0x1AC00] =	vst v63  }
0x1d: {  	_ =	swait.ge [sflag:s14], $0xA000  }
0x1e: {  	[sflag:s14] =	ssyncset.done $0x0  }
0x1f: {  	[sflag:s14] =	ssyncadd.s32 $0xFFFF6000  }
0x20: {  	s18 =	simm.s32 $0x0;
	s20 =	simm.s32 $0x0;
	[bflag:$0x0] =	sbarrier.arrive $0xFFFF  }
.LBB2_4:
0x21: {  	s22 =	sshll.u32 s20, $0x3  }
0x22: {  	s22 =	sadd.s32 s9, s22  }
0x23: {  	s24 =	sshll.u32 s22, $0x4  }
0x24: {  	s26 =	sadd.s32 s6, s24  }
0x25: {  	[tilespmem:s18], [sflag:$0x2] =	stream.linear.gather [hbm4b:s26+s18], $0x400, $0x38;
	[tilespmem:$0x1AC00] =	vst v63  }
0x26: {  	_ =	swait.ge [sflag:s14], $0x400  }
0x27: {  	[sflag:s14] =	ssyncset.done $0x0  }
0x28: {  	s22 =	sadd.s32 s10, s22;
	[sflag:s14] =	ssyncadd.s32 $0xFFFFFC00  }
0x29: {  	s22 =	sshll.u32 s22, $0x4;
	s26 =	rddreg [dreg:$0x1]  }
0x2a: {  	s22 =	sadd.s32 s26, s22  }
0x2b: {  	[tilespmem:s15], [sflag:$0x2] =	stream.linear.gather [hbm4b:s22+s18], $0x400, $0x38;
	[tilespmem:$0x1AC00] =	vst v63  }
0x2c: {  	_ =	swait.ge [sflag:s14], $0x400  }
0x2d: {  	[sflag:s14] =	ssyncset.done $0x0  }
0x2e: {  	s24 =	sadd.s32 s7, s24;
	s26 =	simm.s32 $0x800;
	[sflag:s14] =	ssyncadd.s32 $0xFFFFFC00  }
0x2f: {  	[tilespmem:s26], [sflag:$0x2] =	stream.linear.gather [hbm4b:s24+s18], $0x400, $0x38;
	[tilespmem:$0x1AC00] =	vst v63  }
0x30: {  	_ =	swait.ge [sflag:s14], $0x400  }
0x31: {  	[sflag:s14] =	ssyncset.done $0x0  }
0x32: {  	[sflag:s14] =	ssyncadd.s32 $0xFFFFFC00  }
0x33: {  	[tilespmem:s13], [sflag:$0x1] =	stream.indirect.gather [hbm4b:s5+s17], $0x40, s15, s17, $0xb8;
	[tilespmem:$0x1AC00] =	vst v63  }
0x34: {  	s26 =	simm.s32 $0x480  }
0x35: {  	[tilespmem:s19], [sflag:$0x1] =	stream.indirect.gather [hbm4b:s5+s17], $0x40, s26, s17, $0xb8;
	[tilespmem:$0x1AC00] =	vst v63  }
0x36: {  	s24 =	simm.s32 $0x500  }
0x37: {  	[tilespmem:s21], [sflag:$0x1] =	stream.indirect.gather [hbm4b:s5+s17], $0x40, s24, s17, $0xb8;
	[tilespmem:$0x1AC00] =	vst v63  }
0x38: {  	s26 =	simm.s32 $0x580  }
0x39: {  	[tilespmem:s23], [sflag:$0x1] =	stream.indirect.gather [hbm4b:s5+s17], $0x40, s26, s17, $0xb8;
	[tilespmem:$0x1AC00] =	vst v63  }
0x3a: {  	s24 =	simm.s32 $0x600  }
0x3b: {  	[tilespmem:s25], [sflag:$0x1] =	stream.indirect.gather [hbm4b:s5+s17], $0x40, s24, s17, $0xb8;
	[tilespmem:$0x1AC00] =	vst v63  }
0x3c: {  	s26 =	simm.s32 $0x680  }
0x3d: {  	[tilespmem:s28], [sflag:$0x1] =	stream.indirect.gather [hbm4b:s5+s17], $0x40, s26, s17, $0xb8;
	[tilespmem:$0x1AC00] =	vst v63  }
0x3e: {  	_ = 	snop  }
0x3f: {  	[tilespmem:s30], [sflag:$0x1] =	stream.indirect.gather [hbm4b:s5+s17], $0x40, s29, s17, $0xb8;
	[tilespmem:$0x1AC00] =	vst v63  }
0x40: {  	_ = 	snop  }
0x41: {  	[tilespmem:s0], [sflag:$0x1] =	stream.indirect.gather [hbm4b:s5+s17], $0x40, s31, s17, $0xb8;
	[tilespmem:$0x1AC00] =	vst v63  }
0x42: {  	_ =	swait.ge [sflag:s2], $0x2000  }
0x43: {  	[sflag:s2] =	ssyncset.done $0x0  }
0x44: {  	[sflag:s2] =	ssyncadd.s32 $0xFFFFE000  }
0x45: {  	_ =	swait.ge [sflag:s2], $0x2000  }
0x46: {  	[sflag:s2] =	ssyncset.done $0x0  }
0x47: {  	[sflag:s2] =	ssyncadd.s32 $0xFFFFE000  }
0x48: {  	_ =	swait.ge [sflag:s2], $0x2000  }
0x49: {  	[sflag:s2] =	ssyncset.done $0x0  }
0x4a: {  	[sflag:s2] =	ssyncadd.s32 $0xFFFFE000  }
0x4b: {  	_ =	swait.ge [sflag:s2], $0x2000  }
0x4c: {  	[sflag:s2] =	ssyncset.done $0x0  }
0x4d: {  	[sflag:s2] =	ssyncadd.s32 $0xFFFFE000  }
0x4e: {  	_ =	swait.ge [sflag:s2], $0x2000  }
0x4f: {  	[sflag:s2] =	ssyncset.done $0x0  }
0x50: {  	[sflag:s2] =	ssyncadd.s32 $0xFFFFE000  }
0x51: {  	_ =	swait.ge [sflag:s2], $0x2000  }
0x52: {  	[sflag:s2] =	ssyncset.done $0x0  }
0x53: {  	[sflag:s2] =	ssyncadd.s32 $0xFFFFE000  }
0x54: {  	_ =	swait.ge [sflag:s2], $0x2000  }
0x55: {  	[sflag:s2] =	ssyncset.done $0x0  }
0x56: {  	[sflag:s2] =	ssyncadd.s32 $0xFFFFE000  }
0x57: {  	_ =	swait.ge [sflag:s2], $0x2000  }
0x58: {  	[sflag:s2] =	ssyncset.done $0x0  }
0x59: {  	s22 =	simm.s32 $0xE00;
	s24 =	simm.s32 $0x0;
	[sflag:s2] =	ssyncadd.s32 $0xFFFFE000  }
.LBB2_5:
0x5a: {  	s26 =	sshra.s32 s24, $0x2  }
0x5b: {  	v1 =	vld [tilespmem:s26+$0x800];
	_ =	sdelay $0x1  }
0x5c: {  	v2 =	vld [tilespmem:s22+$0xFFFFFE00];
	_ =	sdelay $0x2  }
0x5d: {  	v3 =	vbroadcast v1, $0x0;
	_ =	sdelay $0x1  }
0x5e: {  	v2 =	vmul.f32 v3, v2;
	_ =	sdelay $0x1  }
0x5f: {  	[tilespmem:s22+$0xFFFFFE00] =	vst v2;
	v2 =	vld [tilespmem:s22+$0xFFFFFE10];
	_ =	sdelay $0x4  }
0x60: {  	v2 =	vmul.f32 v2, v3;
	_ =	sdelay $0x1  }
0x61: {  	[tilespmem:s22+$0xFFFFFE10] =	vst v2;
	v2 =	vld [tilespmem:s22+$0xFFFFFE20];
	_ =	sdelay $0x4  }
0x62: {  	v2 =	vmul.f32 v2, v3;
	_ =	sdelay $0x1  }
0x63: {  	[tilespmem:s22+$0xFFFFFE20] =	vst v2;
	v2 =	vld [tilespmem:s22+$0xFFFFFE30];
	_ =	sdelay $0x4  }
0x64: {  	v2 =	vmul.f32 v2, v3;
	_ =	sdelay $0x1  }
0x65: {  	[tilespmem:s22+$0xFFFFFE30] =	vst v2;
	v2 =	vld [tilespmem:s22+$0xFFFFFE40];
	_ =	sdelay $0x2  }
0x66: {  	v3 =	vbroadcast v1, $0x1;
	_ =	sdelay $0x1  }
0x67: {  	v2 =	vmul.f32 v2, v3;
	_ =	sdelay $0x1  }
0x68: {  	[tilespmem:s22+$0xFFFFFE40] =	vst v2;
	v2 =	vld [tilespmem:s22+$0xFFFFFE50];
	_ =	sdelay $0x4  }
0x69: {  	v2 =	vmul.f32 v2, v3;
	_ =	sdelay $0x1  }
0x6a: {  	[tilespmem:s22+$0xFFFFFE50] =	vst v2;
	v2 =	vld [tilespmem:s22+$0xFFFFFE60];
	_ =	sdelay $0x4  }
0x6b: {  	v2 =	vmul.f32 v2, v3;
	_ =	sdelay $0x1  }
0x6c: {  	[tilespmem:s22+$0xFFFFFE60] =	vst v2;
	v2 =	vld [tilespmem:s22+$0xFFFFFE70];
	_ =	sdelay $0x4  }
0x6d: {  	v2 =	vmul.f32 v2, v3;
	_ =	sdelay $0x1  }
0x6e: {  	[tilespmem:s22+$0xFFFFFE70] =	vst v2;
	v2 =	vld [tilespmem:s22+$0xFFFFFE80];
	_ =	sdelay $0x2  }
0x6f: {  	v3 =	vbroadcast v1, $0x2;
	_ =	sdelay $0x1  }
0x70: {  	v2 =	vmul.f32 v2, v3;
	_ =	sdelay $0x1  }
0x71: {  	[tilespmem:s22+$0xFFFFFE80] =	vst v2;
	v2 =	vld [tilespmem:s22+$0xFFFFFE90];
	_ =	sdelay $0x4  }
0x72: {  	v2 =	vmul.f32 v2, v3;
	_ =	sdelay $0x1  }
0x73: {  	[tilespmem:s22+$0xFFFFFE90] =	vst v2;
	v2 =	vld [tilespmem:s22+$0xFFFFFEA0];
	_ =	sdelay $0x4  }
0x74: {  	v2 =	vmul.f32 v2, v3;
	_ =	sdelay $0x1  }
0x75: {  	[tilespmem:s22+$0xFFFFFEA0] =	vst v2;
	v2 =	vld [tilespmem:s22+$0xFFFFFEB0];
	_ =	sdelay $0x4  }
0x76: {  	v2 =	vmul.f32 v2, v3;
	_ =	sdelay $0x1  }
0x77: {  	[tilespmem:s22+$0xFFFFFEB0] =	vst v2;
	v2 =	vld [tilespmem:s22+$0xFFFFFEC0];
	_ =	sdelay $0x2  }
0x78: {  	v3 =	vbroadcast v1, $0x3;
	_ =	sdelay $0x1  }
0x79: {  	v2 =	vmul.f32 v2, v3;
	_ =	sdelay $0x1  }
0x7a: {  	[tilespmem:s22+$0xFFFFFEC0] =	vst v2;
	v2 =	vld [tilespmem:s22+$0xFFFFFED0];
	_ =	sdelay $0x4  }
0x7b: {  	v2 =	vmul.f32 v2, v3;
	_ =	sdelay $0x1  }
0x7c: {  	[tilespmem:s22+$0xFFFFFED0] =	vst v2;
	v2 =	vld [tilespmem:s22+$0xFFFFFEE0];
	_ =	sdelay $0x4  }
0x7d: {  	v2 =	vmul.f32 v2, v3;
	_ =	sdelay $0x1  }
0x7e: {  	[tilespmem:s22+$0xFFFFFEE0] =	vst v2;
	v2 =	vld [tilespmem:s22+$0xFFFFFEF0];
	_ =	sdelay $0x4  }
0x7f: {  	v2 =	vmul.f32 v2, v3;
	_ =	sdelay $0x1  }
0x80: {  	[tilespmem:s22+$0xFFFFFEF0] =	vst v2;
	v2 =	vld [tilespmem:s22+$0xFFFFFF00];
	_ =	sdelay $0x2  }
0x81: {  	v3 =	vbroadcast v1, $0x4;
	_ =	sdelay $0x1  }
0x82: {  	v2 =	vmul.f32 v2, v3;
	_ =	sdelay $0x1  }
0x83: {  	[tilespmem:s22+$0xFFFFFF00] =	vst v2;
	v2 =	vld [tilespmem:s22+$0xFFFFFF10];
	_ =	sdelay $0x4  }
0x84: {  	v2 =	vmul.f32 v2, v3;
	_ =	sdelay $0x1  }
0x85: {  	[tilespmem:s22+$0xFFFFFF10] =	vst v2;
	v2 =	vld [tilespmem:s22+$0xFFFFFF20];
	_ =	sdelay $0x4  }
0x86: {  	v2 =	vmul.f32 v2, v3;
	_ =	sdelay $0x1  }
0x87: {  	[tilespmem:s22+$0xFFFFFF20] =	vst v2;
	v2 =	vld [tilespmem:s22+$0xFFFFFF30];
	_ =	sdelay $0x4  }
0x88: {  	v2 =	vmul.f32 v2, v3;
	_ =	sdelay $0x1  }
0x89: {  	[tilespmem:s22+$0xFFFFFF30] =	vst v2;
	v2 =	vld [tilespmem:s22+$0xFFFFFF40];
	_ =	sdelay $0x2  }
0x8a: {  	v3 =	vbroadcast v1, $0x5;
	_ =	sdelay $0x1  }
0x8b: {  	v2 =	vmul.f32 v2, v3;
	_ =	sdelay $0x1  }
0x8c: {  	[tilespmem:s22+$0xFFFFFF40] =	vst v2;
	v2 =	vld [tilespmem:s22+$0xFFFFFF50];
	_ =	sdelay $0x4  }
0x8d: {  	v2 =	vmul.f32 v2, v3;
	_ =	sdelay $0x1  }
0x8e: {  	[tilespmem:s22+$0xFFFFFF50] =	vst v2;
	v2 =	vld [tilespmem:s22+$0xFFFFFF60];
	_ =	sdelay $0x4  }
0x8f: {  	v2 =	vmul.f32 v2, v3;
	_ =	sdelay $0x1  }
0x90: {  	[tilespmem:s22+$0xFFFFFF60] =	vst v2;
	v2 =	vld [tilespmem:s22+$0xFFFFFF70];
	_ =	sdelay $0x4  }
0x91: {  	v2 =	vmul.f32 v2, v3;
	_ =	sdelay $0x1  }
0x92: {  	[tilespmem:s22+$0xFFFFFF70] =	vst v2;
	v2 =	vld [tilespmem:s22+$0xFFFFFF80];
	_ =	sdelay $0x2  }
0x93: {  	v3 =	vbroadcast v1, $0x6;
	_ =	sdelay $0x1  }
0x94: {  	v2 =	vmul.f32 v2, v3;
	_ =	sdelay $0x1  }
0x95: {  	[tilespmem:s22+$0xFFFFFF80] =	vst v2;
	v2 =	vld [tilespmem:s22+$0xFFFFFF90];
	_ =	sdelay $0x4  }
0x96: {  	v2 =	vmul.f32 v2, v3;
	_ =	sdelay $0x1  }
0x97: {  	[tilespmem:s22+$0xFFFFFF90] =	vst v2;
	v2 =	vld [tilespmem:s22+$0xFFFFFFA0];
	_ =	sdelay $0x4  }
0x98: {  	v2 =	vmul.f32 v2, v3;
	_ =	sdelay $0x1  }
0x99: {  	[tilespmem:s22+$0xFFFFFFA0] =	vst v2;
	v2 =	vld [tilespmem:s22+$0xFFFFFFB0];
	_ =	sdelay $0x4  }
0x9a: {  	v2 =	vmul.f32 v2, v3;
	_ =	sdelay $0x1  }
0x9b: {  	[tilespmem:s22+$0xFFFFFFB0] =	vst v2;
	v2 =	vld [tilespmem:s22+$0xFFFFFFC0];
	_ =	sdelay $0x2  }
0x9c: {  	v3 =	vbroadcast v1, $0x7;
	_ =	sdelay $0x1  }
0x9d: {  	v2 =	vmul.f32 v2, v3;
	_ =	sdelay $0x1  }
0x9e: {  	[tilespmem:s22+$0xFFFFFFC0] =	vst v2;
	v2 =	vld [tilespmem:s22+$0xFFFFFFD0];
	_ =	sdelay $0x4  }
0x9f: {  	v2 =	vmul.f32 v2, v3;
	_ =	sdelay $0x1  }
0xa0: {  	[tilespmem:s22+$0xFFFFFFD0] =	vst v2;
	v2 =	vld [tilespmem:s22+$0xFFFFFFE0];
	_ =	sdelay $0x4  }
0xa1: {  	v2 =	vmul.f32 v2, v3;
	_ =	sdelay $0x1  }
0xa2: {  	[tilespmem:s22+$0xFFFFFFE0] =	vst v2;
	v2 =	vld [tilespmem:s22+$0xFFFFFFF0];
	_ =	sdelay $0x4  }
0xa3: {  	v2 =	vmul.f32 v2, v3;
	_ =	sdelay $0x1  }
0xa4: {  	[tilespmem:s22+$0xFFFFFFF0] =	vst v2;
	v2 =	vld [tilespmem:s22+$0x0];
	_ =	sdelay $0x2  }
0xa5: {  	v3 =	vbroadcast v1, $0x8;
	_ =	sdelay $0x1  }
0xa6: {  	v2 =	vmul.f32 v2, v3;
	_ =	sdelay $0x1  }
0xa7: {  	[tilespmem:s22+$0x0] =	vst v2;
	v2 =	vld [tilespmem:s22+$0x10];
	_ =	sdelay $0x4  }
0xa8: {  	v2 =	vmul.f32 v2, v3;
	_ =	sdelay $0x1  }
0xa9: {  	[tilespmem:s22+$0x10] =	vst v2;
	v2 =	vld [tilespmem:s22+$0x20];
	_ =	sdelay $0x4  }
0xaa: {  	v2 =	vmul.f32 v2, v3;
	_ =	sdelay $0x1  }
0xab: {  	[tilespmem:s22+$0x20] =	vst v2;
	v2 =	vld [tilespmem:s22+$0x30];
	_ =	sdelay $0x4  }
0xac: {  	v2 =	vmul.f32 v2, v3;
	_ =	sdelay $0x1  }
0xad: {  	[tilespmem:s22+$0x30] =	vst v2;
	v2 =	vld [tilespmem:s22+$0x40];
	_ =	sdelay $0x2  }
0xae: {  	v3 =	vbroadcast v1, $0x9;
	_ =	sdelay $0x1  }
0xaf: {  	v2 =	vmul.f32 v2, v3;
	_ =	sdelay $0x1  }
0xb0: {  	[tilespmem:s22+$0x40] =	vst v2;
	v2 =	vld [tilespmem:s22+$0x50];
	_ =	sdelay $0x4  }
0xb1: {  	v2 =	vmul.f32 v2, v3;
	_ =	sdelay $0x1  }
0xb2: {  	[tilespmem:s22+$0x50] =	vst v2;
	v2 =	vld [tilespmem:s22+$0x60];
	_ =	sdelay $0x4  }
0xb3: {  	v2 =	vmul.f32 v2, v3;
	_ =	sdelay $0x1  }
0xb4: {  	[tilespmem:s22+$0x60] =	vst v2;
	v2 =	vld [tilespmem:s22+$0x70];
	_ =	sdelay $0x4  }
0xb5: {  	v2 =	vmul.f32 v2, v3;
	_ =	sdelay $0x1  }
0xb6: {  	[tilespmem:s22+$0x70] =	vst v2;
	v2 =	vld [tilespmem:s22+$0x80];
	_ =	sdelay $0x2  }
0xb7: {  	v3 =	vbroadcast v1, $0xA;
	_ =	sdelay $0x1  }
0xb8: {  	v2 =	vmul.f32 v2, v3;
	_ =	sdelay $0x1  }
0xb9: {  	[tilespmem:s22+$0x80] =	vst v2;
	v2 =	vld [tilespmem:s22+$0x90];
	_ =	sdelay $0x4  }
0xba: {  	v2 =	vmul.f32 v2, v3;
	_ =	sdelay $0x1  }
0xbb: {  	[tilespmem:s22+$0x90] =	vst v2;
	v2 =	vld [tilespmem:s22+$0xA0];
	_ =	sdelay $0x4  }
0xbc: {  	v2 =	vmul.f32 v2, v3;
	_ =	sdelay $0x1  }
0xbd: {  	[tilespmem:s22+$0xA0] =	vst v2;
	v2 =	vld [tilespmem:s22+$0xB0];
	_ =	sdelay $0x4  }
0xbe: {  	v2 =	vmul.f32 v2, v3;
	_ =	sdelay $0x1  }
0xbf: {  	[tilespmem:s22+$0xB0] =	vst v2;
	v2 =	vld [tilespmem:s22+$0xC0];
	_ =	sdelay $0x2  }
0xc0: {  	v3 =	vbroadcast v1, $0xB;
	_ =	sdelay $0x1  }
0xc1: {  	v2 =	vmul.f32 v2, v3;
	_ =	sdelay $0x1  }
0xc2: {  	[tilespmem:s22+$0xC0] =	vst v2;
	v2 =	vld [tilespmem:s22+$0xD0];
	_ =	sdelay $0x4  }
0xc3: {  	v2 =	vmul.f32 v2, v3;
	_ =	sdelay $0x1  }
0xc4: {  	[tilespmem:s22+$0xD0] =	vst v2;
	v2 =	vld [tilespmem:s22+$0xE0];
	_ =	sdelay $0x4  }
0xc5: {  	v2 =	vmul.f32 v2, v3;
	_ =	sdelay $0x1  }
0xc6: {  	[tilespmem:s22+$0xE0] =	vst v2;
	v2 =	vld [tilespmem:s22+$0xF0];
	_ =	sdelay $0x4  }
0xc7: {  	v2 =	vmul.f32 v2, v3;
	_ =	sdelay $0x1  }
0xc8: {  	[tilespmem:s22+$0xF0] =	vst v2;
	v2 =	vld [tilespmem:s22+$0x100];
	_ =	sdelay $0x2  }
0xc9: {  	v3 =	vbroadcast v1, $0xC;
	_ =	sdelay $0x1  }
0xca: {  	v2 =	vmul.f32 v2, v3;
	_ =	sdelay $0x1  }
0xcb: {  	[tilespmem:s22+$0x100] =	vst v2;
	v2 =	vld [tilespmem:s22+$0x110];
	_ =	sdelay $0x4  }
0xcc: {  	v2 =	vmul.f32 v2, v3;
	_ =	sdelay $0x1  }
0xcd: {  	[tilespmem:s22+$0x110] =	vst v2;
	v2 =	vld [tilespmem:s22+$0x120];
	_ =	sdelay $0x4  }
0xce: {  	v2 =	vmul.f32 v2, v3;
	_ =	sdelay $0x1  }
0xcf: {  	[tilespmem:s22+$0x120] =	vst v2;
	v2 =	vld [tilespmem:s22+$0x130];
	_ =	sdelay $0x4  }
0xd0: {  	v2 =	vmul.f32 v2, v3;
	_ =	sdelay $0x1  }
0xd1: {  	[tilespmem:s22+$0x130] =	vst v2;
	v2 =	vld [tilespmem:s22+$0x140];
	_ =	sdelay $0x2  }
0xd2: {  	v3 =	vbroadcast v1, $0xD;
	_ =	sdelay $0x1  }
0xd3: {  	v2 =	vmul.f32 v2, v3;
	_ =	sdelay $0x1  }
0xd4: {  	[tilespmem:s22+$0x140] =	vst v2;
	v2 =	vld [tilespmem:s22+$0x150];
	_ =	sdelay $0x4  }
0xd5: {  	v2 =	vmul.f32 v2, v3;
	_ =	sdelay $0x1  }
0xd6: {  	[tilespmem:s22+$0x150] =	vst v2;
	v2 =	vld [tilespmem:s22+$0x160];
	_ =	sdelay $0x4  }
0xd7: {  	v2 =	vmul.f32 v2, v3;
	_ =	sdelay $0x1  }
0xd8: {  	[tilespmem:s22+$0x160] =	vst v2;
	v2 =	vld [tilespmem:s22+$0x170];
	_ =	sdelay $0x4  }
0xd9: {  	v2 =	vmul.f32 v2, v3;
	_ =	sdelay $0x1  }
0xda: {  	[tilespmem:s22+$0x170] =	vst v2;
	v2 =	vld [tilespmem:s22+$0x180];
	_ =	sdelay $0x2  }
0xdb: {  	v3 =	vbroadcast v1, $0xE;
	_ =	sdelay $0x1  }
0xdc: {  	v2 =	vmul.f32 v2, v3;
	_ =	sdelay $0x1  }
0xdd: {  	[tilespmem:s22+$0x180] =	vst v2;
	v2 =	vld [tilespmem:s22+$0x190];
	_ =	sdelay $0x4  }
0xde: {  	v2 =	vmul.f32 v2, v3;
	_ =	sdelay $0x1  }
0xdf: {  	[tilespmem:s22+$0x190] =	vst v2;
	v2 =	vld [tilespmem:s22+$0x1A0];
	_ =	sdelay $0x4  }
0xe0: {  	v2 =	vmul.f32 v2, v3;
	_ =	sdelay $0x1  }
0xe1: {  	[tilespmem:s22+$0x1A0] =	vst v2;
	v2 =	vld [tilespmem:s22+$0x1B0];
	_ =	sdelay $0x4  }
0xe2: {  	v2 =	vmul.f32 v2, v3;
	_ =	sdelay $0x1  }
0xe3: {  	[tilespmem:s22+$0x1B0] =	vst v2;
	v2 =	vld [tilespmem:s22+$0x1C0];
	_ =	sdelay $0x2  }
0xe4: {  	v1 =	vbroadcast v1, $0xF;
	_ =	sdelay $0x1  }
0xe5: {  	v2 =	vmul.f32 v2, v1;
	_ =	sdelay $0x1  }
0xe6: {  	[tilespmem:s22+$0x1C0] =	vst v2;
	v2 =	vld [tilespmem:s22+$0x1D0];
	_ =	sdelay $0x4  }
0xe7: {  	v2 =	vmul.f32 v2, v1;
	_ =	sdelay $0x1  }
0xe8: {  	[tilespmem:s22+$0x1D0] =	vst v2;
	v2 =	vld [tilespmem:s22+$0x1E0];
	_ =	sdelay $0x4  }
0xe9: {  	v2 =	vmul.f32 v2, v1;
	_ =	sdelay $0x1  }
0xea: {  	[tilespmem:s22+$0x1E0] =	vst v2;
	v2 =	vld [tilespmem:s22+$0x1F0];
	_ =	sdelay $0x1  }
0xeb: {  	p0 =	sne.s32 s24, $0xFC0  }
.Ltmp1:
0xec: {  	_ = 	snop;
	(pc) =	sbr.rel @p0 .LBB2_5-.Ltmp1, $3  }
0xed: {  	_ = 	snop  }
0xee: {  	v1 =	vmul.f32 v2, v1;
	_ =	sdelay $0x1  }
0xef: {  	s24 =	sadd.s32 $0x40, s24;
	[tilespmem:s22+$0x1F0] =	vst v1;
	s22 =	sadd.s32 $0x400, s22  }
0xf0: {  	s22 =	simm.s32 $0x0  }
0xf1: {  	[spmem:s3] =	stream.indirect.scatter.add.f32 [tilespmem:s13], [sflag:$0x2], $0x40, s22, s17, $0xb8;
	[tilespmem:$0x1AC00] =	vst v63  }
0xf2: {  	_ =	swait.ge [sflag:s14], $0x2000  }
0xf3: {  	[sflag:s14] =	ssyncset.done $0x0  }
0xf4: {  	[sflag:s14] =	ssyncadd.s32 $0xFFFFE000  }
0xf5: {  	[spmem:s3] =	stream.indirect.scatter.add.f32 [tilespmem:s19], [sflag:$0x2], $0x40, s17, s17, $0xb8;
	[tilespmem:$0x1AC00] =	vst v63  }
0xf6: {  	_ =	swait.ge [sflag:s14], $0x2000  }
0xf7: {  	[sflag:s14] =	ssyncset.done $0x0  }
0xf8: {  	[sflag:s14] =	ssyncadd.s32 $0xFFFFE000  }
0xf9: {  	[spmem:s3] =	stream.indirect.scatter.add.f32 [tilespmem:s21], [sflag:$0x2], $0x40, s11, s17, $0xb8;
	[tilespmem:$0x1AC00] =	vst v63  }
0xfa: {  	_ =	swait.ge [sflag:s14], $0x2000  }
0xfb: {  	[sflag:s14] =	ssyncset.done $0x0  }
0xfc: {  	[sflag:s14] =	ssyncadd.s32 $0xFFFFE000  }
0xfd: {  	[spmem:s3] =	stream.indirect.scatter.add.f32 [tilespmem:s23], [sflag:$0x2], $0x40, s12, s17, $0xb8;
	[tilespmem:$0x1AC00] =	vst v63  }
0xfe: {  	_ =	swait.ge [sflag:s14], $0x2000  }
0xff: {  	[sflag:s14] =	ssyncset.done $0x0  }
0x100: {  	[sflag:s14] =	ssyncadd.s32 $0xFFFFE000  }
0x101: {  	[spmem:s3] =	stream.indirect.scatter.add.f32 [tilespmem:s25], [sflag:$0x2], $0x40, s8, s17, $0xb8;
	[tilespmem:$0x1AC00] =	vst v63  }
0x102: {  	_ =	swait.ge [sflag:s14], $0x2000  }
0x103: {  	[sflag:s14] =	ssyncset.done $0x0  }
0x104: {  	[sflag:s14] =	ssyncadd.s32 $0xFFFFE000  }
0x105: {  	[spmem:s3] =	stream.indirect.scatter.add.f32 [tilespmem:s28], [sflag:$0x2], $0x40, s1, s17, $0xb8;
	[tilespmem:$0x1AC00] =	vst v63  }
0x106: {  	_ =	swait.ge [sflag:s14], $0x2000  }
0x107: {  	[sflag:s14] =	ssyncset.done $0x0  }
0x108: {  	[sflag:s14] =	ssyncadd.s32 $0xFFFFE000  }
0x109: {  	[spmem:s3] =	stream.indirect.scatter.add.f32 [tilespmem:s30], [sflag:$0x2], $0x40, s4, s17, $0xb8;
	[tilespmem:$0x1AC00] =	vst v63  }
0x10a: {  	s20 =	sadd.s32 $0x1, s20;
	_ =	swait.ge [sflag:s14], $0x2000  }
0x10b: {  	p0 =	sne.s32 s20, $0x14;
	[sflag:s14] =	ssyncset.done $0x0  }
.Ltmp2:
0x10c: {  	[sflag:s14] =	ssyncadd.s32 $0xFFFFE000;
	(pc) =	sbr.rel @p0 .LBB2_4-.Ltmp2, $4  }
0x10d: {  	[spmem:s3] =	stream.indirect.scatter.add.f32 [tilespmem:s0], [sflag:$0x2], $0x40, s16, s17, $0xb8;
	[tilespmem:$0x1AC00] =	vst v63  }
0x10e: {  	_ =	swait.ge [sflag:s14], $0x2000  }
0x10f: {  	[sflag:s14] =	ssyncset.done $0x0  }
0x110: {  	[sflag:s14] =	ssyncadd.s32 $0xFFFFE000  }
0x111: {  	s18 =	stileid.u32;
	[bflag:$0x0] =	sbarrier.arrive $0xFFFF  }
0x112: {  	s18 =	sshll.u32 s18, $0x6;
	s24 =	rddreg [dreg:$0x4]  }
0x113: {  	s22 =	rddreg [dreg:$0x5];
	s18 =	sor.u32 $0x1C02, s18;
	s20 =	sshrl.u32 s24, $0x3  }
0x114: {  	[hbm:s22], [sflag:s18] =	dma.local [spmem:s20], $0x1400  }
0x115: {  	_ =	swait.ge [sflag:s14], $0x1400  }
0x116: {  	s22 =	rddreg [dreg:$0x7]  }
0x117: {  	s26 =	rddreg [dreg:$0x6];
	s20 =	sadd.s32 $0x1, s22  }
0x118: {  	p0 =	sne.s32 s20, s26  }
.Ltmp3:
0x119: {  	_ = 	snop;
	(pc) =	sbr.rel @p0 .LBB2_1-.Ltmp3, $3  }
0x11a: {  	_ =	sdelay $0x1  }
0x11b: {  	[sflag:s14] =	ssyncset.done $0x0  }
0x11c: {  	[sflag:s14] =	ssyncadd.s32 $0xFFFFEC00  }
0x11d: {  	_ =	sfence.sel $0x180000  }
0x11e: {  	[bflag:$0x0] =	sbarrier.arrive $0xFFFF  }
0x11f: {  	_ =	strace $0x90000047  }
0x120: {  	s0 =	stileid.u32;
	[bflag:$0x2] =	sbarrier.arrive $0xFFFF  }
0x121: {  	p0 =	sne.s32 s0, $0x0;
	s0 =	rddreg [dreg:$0x3]  }
0x122: {  	s0 =	sadd.s32 @!p0 $0x100000, s0  }
0x123: {  	[sflag:s0] =	ssyncadd.tile.s32 @!p0 $0x1;
	_ =	shalt  }
.Lfunc_end2:
_tile_overlayer_lowered:
.L_overlay_start_2:
0x124: {  	(tag) =	ssettag $0x2  }
0x125: {  	s0 =	rddreg [dreg:$0x0];
	s2 =	stileid.u32  }
0x126: {  	s1 =	rddreg [dreg:$0x1];
	p0 =	sne.s32 s2, $0x0  }
0x127: {  	s3 =	rddreg [dreg:$0x2];
	[bflag:$0x3] =	sbarrier.arrive $0xFFFF;
	s2 =	simm.s32 @!p0 $0x1C02  }
0x128: {  	[timem:s3], [sflag:s2] =	dma.local @!p0 [hbm:s0], s1  }
0x129: {  	s0 =	simm.s32 @!p0 $0x2  }
0x12a: {  	_ =	swait.ge @!p0 [sflag:s0], s1  }
0x12b: {  	s1 =	ssub.s32 @!p0 $0x0, s1;
	[sflag:s0] =	ssyncset.done @!p0 $0x0  }
0x12c: {  	[sflag:s0] =	ssyncadd.s32 @!p0 s1  }
0x12d: {  	[bflag:$0x3] =	sbarrier.arrive $0xFFFF  }
0x12e: {  	_ =	shalt  }

</sc_bundles>
